<compile_context>
chip_gen: v7x
topology: tpu7x:2x2x1
jax: 0.10.2.dev20260603
libtpu: 0.0.44.dev20260713+nightly
codegen_flags: <defaults>
</compile_context>

<pallas_src>
import functools

import jax
import jax.numpy as jnp
from jax import lax
from jax.experimental import pallas as pl
from jax.experimental.pallas import tpu as pltpu
from jax.experimental.pallas import tpu_sc as plsc

NC = 2
NS = 16
NW = NC * NS


def _tc1_body(x_ref, w_ref, a_ref, asrc_ref, adst_ref, z_ref, aux_ref):
    v = jnp.dot(w_ref[...], a_ref[...], preferred_element_type=jnp.float32)
    st = lax.dot_general(v, x_ref[...], (((0,), (1,)), ((), ())),
                         preferred_element_type=jnp.float32)
    asrc_ref[...] = st[0, :]
    adst_ref[...] = st[1, :]
    z_ref[...] = st[2, :]
    m = jnp.max(st, axis=1).reshape(8, 1)
    aux_ref[...] = jnp.broadcast_to(m, (8, 128))


def _tc2_body(ea_ref, we_ref, ae_ref, o0, o1, o2, o3, o4, o5, o6, o7,
              aux_ref):
    ve = jnp.dot(we_ref[...], ae_ref[...], preferred_element_type=jnp.float32)
    vt = jnp.broadcast_to(ve.reshape(1, 16, 1), (8, 16, 1)).reshape(128, 1)
    row = lax.broadcasted_iota(jnp.int32, (128, 8), 0)
    col = lax.broadcasted_iota(jnp.int32, (128, 8), 1)
    vd = jnp.where(row // 16 == col, vt, 0.0)
    at8 = lax.dot_general(vd, ea_ref[...], (((0,), (1,)), ((), ())),
                          preferred_element_type=jnp.float32)
    o0[...] = at8[0, :]
    o1[...] = at8[1, :]
    o2[...] = at8[2, :]
    o3[...] = at8[3, :]
    o4[...] = at8[4, :]
    o5[...] = at8[5, :]
    o6[...] = at8[6, :]
    o7[...] = at8[7, :]
    aux_ref[...] = jnp.broadcast_to(jnp.max(at8), (8, 128))


def _tc3_body(num_ref, den_ref, bc_ref, wl_ref, bl_ref, out_ref):
    ns = jnp.sum(num_ref[...], axis=0, keepdims=True)
    ds_ = jnp.sum(den_ref[...], axis=0, keepdims=True)
    c = jnp.sum(bc_ref[...] * wl_ref[...]) + bl_ref[0, 0]
    agg = jnp.where(ds_ > 0.0, ns / ds_, 0.0)
    out_ref[...] = jnp.maximum(agg + c, 0.0)


def _make_sc_kernel(n, e):
    per = -(-e // NW)
    nfull = per // 16
    tail = per - nfull * 16
    buf = (per + 15) // 16 * 16
    rows8 = e // 8
    lrow = (per // 8 + 14) // 8 * 8
    mesh = plsc.VectorSubcoreMesh(core_axis_name="c", subcore_axis_name="s")

    @functools.partial(
        pl.kernel,
        mesh=mesh,
        compiler_params=pltpu.CompilerParams(needs_layout_passes=False),
        out_type=[
            jax.ShapeDtypeStruct((NW, n), jnp.float32),
            jax.ShapeDtypeStruct((NW, n), jnp.float32),
        ],
        scratch_types=[
            pltpu.VMEM((n,), jnp.float32),
            pltpu.VMEM((n,), jnp.float32),
            pltpu.VMEM((n,), jnp.float32),
            pltpu.VMEM((buf,), jnp.int32),
            pltpu.VMEM((buf,), jnp.int32),
            pltpu.VMEM((8 * lrow,), jnp.float32),
            pltpu.VMEM((16,), jnp.float32),
            pltpu.VMEM((n,), jnp.float32),
            pltpu.VMEM((n,), jnp.float32),
            pltpu.SemaphoreType.DMA,
        ],
    )
    def sc_kernel(asrc_hbm, adst_hbm, z_hbm, ei_hbm, ae0, ae1, ae2, ae3,
                  ae4, ae5, ae6, ae7, cvec_hbm, num_out, den_out,
                  asrc_v, adst_v, z_v, src_v, dst_v, aeb_v, cv_v,
                  num_v, den_v, dsem):
        cid = lax.axis_index("c")
        sid = lax.axis_index("s")
        wid = sid * NC + cid
        base = wid * per
        q0 = base // 8
        d0 = q0 - q0 // 8 * 8
        s0 = jnp.minimum(q0 - d0, rows8 - lrow)
        cps = [
            pltpu.async_copy(asrc_hbm, asrc_v, dsem),
            pltpu.async_copy(adst_hbm, adst_v, dsem),
            pltpu.async_copy(z_hbm, z_v, dsem),
            pltpu.async_copy(ei_hbm.at[pl.ds(base, per)],
                             src_v.at[pl.ds(0, per)], dsem),
            pltpu.async_copy(ei_hbm.at[pl.ds(e + base, per)],
                             dst_v.at[pl.ds(0, per)], dsem),
            pltpu.async_copy(cvec_hbm, cv_v, dsem),
        ]
        for j, aej in enumerate((ae0, ae1, ae2, ae3, ae4, ae5, ae6, ae7)):
            cps.append(pltpu.async_copy(aej.at[pl.ds(s0, lrow)],
                                        aeb_v.at[pl.ds(j * lrow, lrow)], dsem))
        lane = lax.iota(jnp.int32, 16)
        aeidx = (lane & 7) * lrow + (lane >> 3) + (q0 - s0)

        zero = jnp.zeros((16,), jnp.float32)

        def zbody(i, carry):
            for j in range(4):
                num_v[pl.ds(i * 64 + j * 16, 16)] = zero
                den_v[pl.ds(i * 64 + j * 16, 16)] = zero
            return carry

        lax.fori_loop(0, n // 64, zbody, 0)
        for k in range(n // 64 * 64, n, 16):
            num_v[pl.ds(k, 16)] = zero
            den_v[pl.ds(k, 16)] = zero
        for cp in cps:
            cp.wait()
        c16 = cv_v[...]

        def chunk(off, mask):
            s16 = src_v[pl.ds(off, 16)]
            d16 = dst_v[pl.ds(off, 16)]
            ae16 = plsc.load_gather(aeb_v, [aeidx + off // 8], mask=mask)
            asr = plsc.load_gather(asrc_v, [s16], mask=mask)
            ads = plsc.load_gather(adst_v, [d16], mask=mask)
            z16 = plsc.load_gather(z_v, [s16], mask=mask)
            al = asr + ads + ae16
            al = jnp.where(al >= 0.0, al, al * 0.2)
            ex = jnp.exp(al - c16)
            plsc.addupdate_scatter(den_v, [d16], ex, mask=mask)
            plsc.addupdate_scatter(num_v, [d16], ex * z16, mask=mask)

        def ebody(i, carry):
            chunk(i * 32, None)
            chunk(i * 32 + 16, None)
            return carry

        lax.fori_loop(0, nfull // 2, ebody, 0)
        for k in range(nfull // 2 * 2, nfull):
            chunk(k * 16, None)
        if tail:
            chunk(nfull * 16, lane < tail)
        pltpu.sync_copy(num_v, num_out.at[wid])
        pltpu.sync_copy(den_v, den_out.at[wid])

    return sc_kernel


def kernel(x, edge_index, edge_attr, W, att_src, att_dst, W_edge, att_edge,
           bias_conv, W_lin, b_lin):
    n, d_in = x.shape
    e = edge_index.shape[1]
    d_edge = edge_attr.shape[1]

    a_mat = jnp.concatenate(
        [att_src[:, None], att_dst[:, None], W_lin,
         jnp.zeros((d_in, 5), jnp.float32)], axis=1)
    asrc, adst, zvec, aux1 = pl.pallas_call(
        _tc1_body,
        out_shape=[
            jax.ShapeDtypeStruct((n,), jnp.float32),
            jax.ShapeDtypeStruct((n,), jnp.float32),
            jax.ShapeDtypeStruct((n,), jnp.float32),
            jax.ShapeDtypeStruct((8, 128), jnp.float32),
        ],
    )(x, W, a_mat)

    rows8 = e // 8
    ae_outs = pl.pallas_call(
        _tc2_body,
        out_shape=[jax.ShapeDtypeStruct((rows8,), jnp.float32)] * 8
        + [jax.ShapeDtypeStruct((8, 128), jnp.float32)],
    )(edge_attr.reshape(rows8 * 8 * d_edge // 128, 128), W_edge,
      att_edge[:, None])
    aux2 = ae_outs[8]

    c_shift = aux1[0, 0] + aux1[1, 0] + aux2[0, 0]
    cvec = jnp.broadcast_to(c_shift, (16,)).astype(jnp.float32)

    num_p, den_p = _make_sc_kernel(n, e)(
        asrc, adst, zvec, edge_index.reshape(2 * e), *ae_outs[:8], cvec)

    out = pl.pallas_call(
        _tc3_body,
        out_shape=jax.ShapeDtypeStruct((1, n), jnp.float32),
    )(num_p, den_p, bias_conv.reshape(3, 128), W_lin.reshape(3, 128),
      b_lin.reshape(1, 1))
    return out.reshape(n, 1)

# --- scband reference (transcript-rebuilt; emitter-appended) ---
"""Pipeline reference for scband-model-73907797230059 (READ-ONLY COPY).

The authoritative reference and input builder live on the scoring server;
editing this copy changes nothing except your own understanding.
"""

import jax, jax.numpy as jnp
import numpy as np

N = 10000
E = 160000
D_IN = 384
D_HID = 384
D_EDGE = 16
D_OUT = 1

def setup_inputs(seed: int = 0):
    key = jax.random.key(seed)
    ks = jax.random.split(key, 11)
    x = jax.random.normal(ks[0], (N, D_IN), dtype=jnp.float32)
    edge_index = jax.random.randint(ks[1], (2, E), 0, N, dtype=jnp.int32)
    edge_attr = jax.random.normal(ks[2], (E, D_EDGE), dtype=jnp.float32)
    s = 1.0 / np.sqrt(D_IN)
    W = jax.random.normal(ks[3], (D_IN, D_HID), dtype=jnp.float32) * s
    att_src = jax.random.normal(ks[4], (D_HID,), dtype=jnp.float32) * s
    att_dst = jax.random.normal(ks[5], (D_HID,), dtype=jnp.float32) * s
    W_edge = jax.random.normal(ks[6], (D_EDGE, D_HID), dtype=jnp.float32) * (1.0 / np.sqrt(D_EDGE))
    att_edge = jax.random.normal(ks[7], (D_HID,), dtype=jnp.float32) * s
    bias_conv = jnp.zeros((D_HID,), dtype=jnp.float32)
    W_lin = jax.random.normal(ks[8], (D_HID, D_OUT), dtype=jnp.float32) * (1.0 / np.sqrt(D_HID))
    b_lin = jnp.zeros((D_OUT,), dtype=jnp.float32)
    return {'x': x, 'edge_index': edge_index, 'edge_attr': edge_attr, 'W': W,
            'att_src': att_src, 'att_dst': att_dst, 'W_edge': W_edge,
            'att_edge': att_edge, 'bias_conv': bias_conv, 'W_lin': W_lin, 'b_lin': b_lin}

def _gat_conv(x, edge_index, edge_attr, W, att_src, att_dst, W_edge, att_edge, bias_conv):
    # Faithful single-head PyG GATConv with edge_dim features.
    src = edge_index[0]
    dst = edge_index[1]
    n = x.shape[0]
    h = x @ W                                   # lin_src(x) = lin_dst(x)
    a_src = (h * att_src).sum(axis=-1)          # [N]
    a_dst = (h * att_dst).sum(axis=-1)          # [N]
    e = edge_attr @ W_edge                      # lin_edge(edge_attr) -> [E, D_HID]
    a_edge = (e * att_edge).sum(axis=-1)        # [E]
    alpha = a_src[src] + a_dst[dst] + a_edge    # gather over edges
    alpha = jax.nn.leaky_relu(alpha, negative_slope=0.2)
    amax = jax.ops.segment_max(alpha, dst, num_segments=n)
    amax = jnp.where(jnp.isfinite(amax), amax, 0.0)
    amax = jax.lax.stop_gradient(amax)
    ex = jnp.exp(alpha - amax[dst])
    denom = jax.ops.segment_sum(ex, dst, num_segments=n)
    coef = ex / (denom[dst] + 1e-16)            # softmax over incoming edges
    msg = h[src] * coef[:, None]                # gather + weight
    out = jax.ops.segment_sum(msg, dst, num_segments=n)  # scatter-add aggregation
    return out + bias_conv

def reference(x, edge_index, edge_attr, W, att_src, att_dst, W_edge, att_edge, bias_conv, W_lin, b_lin):
    # convs list has length 1, so the convs[:-1] loop (relu+dropout) never runs.
    h = _gat_conv(x, edge_index, edge_attr, W, att_src, att_dst, W_edge, att_edge, bias_conv)
    out = h @ W_lin + b_lin
    return jax.nn.relu(out)

if __name__ == "__main__":
    import jax
    _d = setup_inputs()
    print(jax.jit(kernel)(*tuple(_d.values())))

</pallas_src>

<mosaic_0001>
#map = affine_map<(d0, d1) -> (0)>
#map1 = affine_map<(d0, d1) -> (0, 0)>
module attributes {stable_mosaic.version = 14 : i64} {
  func.func @sc_kernel(%arg0: i32, %arg1: i32, %arg2: memref<10000xf32, #tpu.memory_space<hbm>>, %arg3: memref<10000xf32, #tpu.memory_space<hbm>>, %arg4: memref<10000xf32, #tpu.memory_space<hbm>>, %arg5: memref<320000xi32, #tpu.memory_space<hbm>>, %arg6: memref<20000xf32, #tpu.memory_space<hbm>>, %arg7: memref<20000xf32, #tpu.memory_space<hbm>>, %arg8: memref<20000xf32, #tpu.memory_space<hbm>>, %arg9: memref<20000xf32, #tpu.memory_space<hbm>>, %arg10: memref<20000xf32, #tpu.memory_space<hbm>>, %arg11: memref<20000xf32, #tpu.memory_space<hbm>>, %arg12: memref<20000xf32, #tpu.memory_space<hbm>>, %arg13: memref<20000xf32, #tpu.memory_space<hbm>>, %arg14: memref<16xf32, #tpu.memory_space<hbm>>, %arg15: memref<32x10000xf32, #tpu.memory_space<hbm>>, %arg16: memref<32x10000xf32, #tpu.memory_space<hbm>>, %arg17: memref<10000xf32, #tpu.memory_space<vmem>>, %arg18: memref<10000xf32, #tpu.memory_space<vmem>>, %arg19: memref<10000xf32, #tpu.memory_space<vmem>>, %arg20: memref<5008xi32, #tpu.memory_space<vmem>>, %arg21: memref<5008xi32, #tpu.memory_space<vmem>>, %arg22: memref<5056xf32, #tpu.memory_space<vmem>>, %arg23: memref<16xf32, #tpu.memory_space<vmem>>, %arg24: memref<10000xf32, #tpu.memory_space<vmem>>, %arg25: memref<10000xf32, #tpu.memory_space<vmem>>, %arg26: memref<!tpu.dma_semaphore, #tpu.memory_space<semaphore_mem>>) attributes {dimension_semantics = [#tpu.dimension_semantics<core_parallel>, #tpu.dimension_semantics<subcore_parallel>], iteration_bounds = array<i64: 2, 16>, scalar_prefetch = 0 : i64, scratch_operands = 10 : i64, tpu.core_type = #tpu.core_type<sc_vector_subcore>, window_params = [{transform_indices = #map}, {transform_indices = #map}, {transform_indices = #map}, {transform_indices = #map}, {transform_indices = #map}, {transform_indices = #map}, {transform_indices = #map}, {transform_indices = #map}, {transform_indices = #map}, {transform_indices = #map}, {transform_indices = #map}, {transform_indices = #map}, {transform_indices = #map}, {transform_indices = #map1}, {transform_indices = #map1}]} {
    %mul3A = arith.constant 2 : i32
    %mul3A_0 = arith.muli %arg1, %mul3A : i32
    %add3A = arith.addi %mul3A_0, %arg0 : i32
    %mul3A_1 = arith.constant 5000 : i32
    %mul3A_2 = arith.muli %add3A, %mul3A_1 : i32
    %jit3A = arith.constant 8 : i32
    %div3A = arith.divsi %mul3A_2, %jit3A : i32
    %sign3A = arith.constant 0 : i32
    %sign3A_3 = arith.cmpi sgt, %mul3A_2, %sign3A : i32
    %sign3A_4 = arith.extui %sign3A_3 : i1 to i32
    %sign3A_5 = arith.constant 0 : i32
    %sign3A_6 = arith.cmpi slt, %mul3A_2, %sign3A_5 : i32
    %sign3A_7 = arith.extui %sign3A_6 : i1 to i32
    %sign3A_8 = arith.subi %sign3A_4, %sign3A_7 : i32
    %sign3A_9 = arith.constant 0 : i32
    %sign3A_10 = arith.cmpi sgt, %jit3A, %sign3A_9 : i32
    %sign3A_11 = arith.extui %sign3A_10 : i1 to i32
    %sign3A_12 = arith.constant 0 : i32
    %sign3A_13 = arith.cmpi slt, %jit3A, %sign3A_12 : i32
    %sign3A_14 = arith.extui %sign3A_13 : i1 to i32
    %sign3A_15 = arith.subi %sign3A_11, %sign3A_14 : i32
    %ne3A = arith.cmpi ne, %sign3A_8, %sign3A_15 : i32
    %rem3A = arith.remsi %mul3A_2, %jit3A : i32
    %ne3A_16 = arith.constant 0 : i32
    %ne3A_17 = arith.cmpi ne, %rem3A, %ne3A_16 : i32
    %and3A = arith.andi %ne3A, %ne3A_17 : i1
    %sub3A = arith.constant 1 : i32
    %sub3A_18 = arith.subi %div3A, %sub3A : i32
    %select_n3A = arith.select %and3A, %sub3A_18, %div3A : i32
    %jit3A_19 = arith.constant 8 : i32
    %div3A_20 = arith.divsi %select_n3A, %jit3A_19 : i32
    %sign3A_21 = arith.constant 0 : i32
    %sign3A_22 = arith.cmpi sgt, %select_n3A, %sign3A_21 : i32
    %sign3A_23 = arith.extui %sign3A_22 : i1 to i32
    %sign3A_24 = arith.constant 0 : i32
    %sign3A_25 = arith.cmpi slt, %select_n3A, %sign3A_24 : i32
    %sign3A_26 = arith.extui %sign3A_25 : i1 to i32
    %sign3A_27 = arith.subi %sign3A_23, %sign3A_26 : i32
    %sign3A_28 = arith.constant 0 : i32
    %sign3A_29 = arith.cmpi sgt, %jit3A_19, %sign3A_28 : i32
    %sign3A_30 = arith.extui %sign3A_29 : i1 to i32
    %sign3A_31 = arith.constant 0 : i32
    %sign3A_32 = arith.cmpi slt, %jit3A_19, %sign3A_31 : i32
    %sign3A_33 = arith.extui %sign3A_32 : i1 to i32
    %sign3A_34 = arith.subi %sign3A_30, %sign3A_33 : i32
    %ne3A_35 = arith.cmpi ne, %sign3A_27, %sign3A_34 : i32
    %rem3A_36 = arith.remsi %select_n3A, %jit3A_19 : i32
    %ne3A_37 = arith.constant 0 : i32
    %ne3A_38 = arith.cmpi ne, %rem3A_36, %ne3A_37 : i32
    %and3A_39 = arith.andi %ne3A_35, %ne3A_38 : i1
    %sub3A_40 = arith.constant 1 : i32
    %sub3A_41 = arith.subi %div3A_20, %sub3A_40 : i32
    %select_n3A_42 = arith.select %and3A_39, %sub3A_41, %div3A_20 : i32
    %mul3A_43 = arith.constant 8 : i32
    %mul3A_44 = arith.muli %select_n3A_42, %mul3A_43 : i32
    %sub3A_45 = arith.subi %select_n3A, %mul3A_44 : i32
    %sub3A_46 = arith.subi %select_n3A, %sub3A_45 : i32
    %min3A = arith.constant 19368 : i32
    %min3A_47 = arith.minsi %sub3A_46, %min3A : i32
    tpu.enqueue_dma source(%arg2 : memref<10000xf32, #tpu.memory_space<hbm>>) target(%arg17 : memref<10000xf32, #tpu.memory_space<vmem>>) target_semaphore(%arg26 : memref<!tpu.dma_semaphore, #tpu.memory_space<semaphore_mem>>)
    tpu.enqueue_dma source(%arg3 : memref<10000xf32, #tpu.memory_space<hbm>>) target(%arg18 : memref<10000xf32, #tpu.memory_space<vmem>>) target_semaphore(%arg26 : memref<!tpu.dma_semaphore, #tpu.memory_space<semaphore_mem>>)
    tpu.enqueue_dma source(%arg4 : memref<10000xf32, #tpu.memory_space<hbm>>) target(%arg19 : memref<10000xf32, #tpu.memory_space<vmem>>) target_semaphore(%arg26 : memref<!tpu.dma_semaphore, #tpu.memory_space<semaphore_mem>>)
    %dma_start3A = arith.constant 0 : i32
    %dma_start3A_48 = tpu.memref_slice %arg20[%dma_start3A] : memref<5008xi32, #tpu.memory_space<vmem>> -> memref<5000xi32, #tpu.memory_space<vmem>>
    %dma_start3A_49 = tpu.memref_slice %arg5[%mul3A_2] : memref<320000xi32, #tpu.memory_space<hbm>> -> memref<5000xi32, #tpu.memory_space<hbm>>
    %dma_start3A_50 = arith.constant 0 : i32
    %dma_start3A_51 = tpu.memref_slice %arg20[%dma_start3A_50] : memref<5008xi32, #tpu.memory_space<vmem>> -> memref<5000xi32, #tpu.memory_space<vmem>>
    %dma_start3A_52 = tpu.memref_slice %arg5[%mul3A_2] : memref<320000xi32, #tpu.memory_space<hbm>> -> memref<5000xi32, #tpu.memory_space<hbm>>
    tpu.enqueue_dma source(%dma_start3A_52 : memref<5000xi32, #tpu.memory_space<hbm>>) target(%dma_start3A_51 : memref<5000xi32, #tpu.memory_space<vmem>>) target_semaphore(%arg26 : memref<!tpu.dma_semaphore, #tpu.memory_space<semaphore_mem>>)
    %add3A_53 = arith.constant 160000 : i32
    %add3A_54 = arith.addi %add3A_53, %mul3A_2 : i32
    %dma_start3A_55 = arith.constant 0 : i32
    %dma_start3A_56 = tpu.memref_slice %arg21[%dma_start3A_55] : memref<5008xi32, #tpu.memory_space<vmem>> -> memref<5000xi32, #tpu.memory_space<vmem>>
    %dma_start3A_57 = tpu.memref_slice %arg5[%add3A_54] : memref<320000xi32, #tpu.memory_space<hbm>> -> memref<5000xi32, #tpu.memory_space<hbm>>
    %dma_start3A_58 = arith.constant 0 : i32
    %dma_start3A_59 = tpu.memref_slice %arg21[%dma_start3A_58] : memref<5008xi32, #tpu.memory_space<vmem>> -> memref<5000xi32, #tpu.memory_space<vmem>>
    %dma_start3A_60 = tpu.memref_slice %arg5[%add3A_54] : memref<320000xi32, #tpu.memory_space<hbm>> -> memref<5000xi32, #tpu.memory_space<hbm>>
    tpu.enqueue_dma source(%dma_start3A_60 : memref<5000xi32, #tpu.memory_space<hbm>>) target(%dma_start3A_59 : memref<5000xi32, #tpu.memory_space<vmem>>) target_semaphore(%arg26 : memref<!tpu.dma_semaphore, #tpu.memory_space<semaphore_mem>>)
    tpu.enqueue_dma source(%arg14 : memref<16xf32, #tpu.memory_space<hbm>>) target(%arg23 : memref<16xf32, #tpu.memory_space<vmem>>) target_semaphore(%arg26 : memref<!tpu.dma_semaphore, #tpu.memory_space<semaphore_mem>>)
    %dma_start3A_61 = arith.constant 0 : i32
    %dma_start3A_62 = tpu.memref_slice %arg22[%dma_start3A_61] : memref<5056xf32, #tpu.memory_space<vmem>> -> memref<632xf32, #tpu.memory_space<vmem>>
    %dma_start3A_63 = tpu.memref_slice %arg6[%min3A_47] : memref<20000xf32, #tpu.memory_space<hbm>> -> memref<632xf32, #tpu.memory_space<hbm>>
    %dma_start3A_64 = arith.constant 0 : i32
    %dma_start3A_65 = tpu.memref_slice %arg22[%dma_start3A_64] : memref<5056xf32, #tpu.memory_space<vmem>> -> memref<632xf32, #tpu.memory_space<vmem>>
    %dma_start3A_66 = tpu.memref_slice %arg6[%min3A_47] : memref<20000xf32, #tpu.memory_space<hbm>> -> memref<632xf32, #tpu.memory_space<hbm>>
    tpu.enqueue_dma source(%dma_start3A_66 : memref<632xf32, #tpu.memory_space<hbm>>) target(%dma_start3A_65 : memref<632xf32, #tpu.memory_space<vmem>>) target_semaphore(%arg26 : memref<!tpu.dma_semaphore, #tpu.memory_space<semaphore_mem>>)
    %dma_start3A_67 = arith.constant 632 : i32
    %dma_start3A_68 = tpu.memref_slice %arg22[%dma_start3A_67] : memref<5056xf32, #tpu.memory_space<vmem>> -> memref<632xf32, #tpu.memory_space<vmem>>
    %dma_start3A_69 = tpu.memref_slice %arg7[%min3A_47] : memref<20000xf32, #tpu.memory_space<hbm>> -> memref<632xf32, #tpu.memory_space<hbm>>
    %dma_start3A_70 = arith.constant 632 : i32
    %dma_start3A_71 = tpu.memref_slice %arg22[%dma_start3A_70] : memref<5056xf32, #tpu.memory_space<vmem>> -> memref<632xf32, #tpu.memory_space<vmem>>
    %dma_start3A_72 = tpu.memref_slice %arg7[%min3A_47] : memref<20000xf32, #tpu.memory_space<hbm>> -> memref<632xf32, #tpu.memory_space<hbm>>
    tpu.enqueue_dma source(%dma_start3A_72 : memref<632xf32, #tpu.memory_space<hbm>>) target(%dma_start3A_71 : memref<632xf32, #tpu.memory_space<vmem>>) target_semaphore(%arg26 : memref<!tpu.dma_semaphore, #tpu.memory_space<semaphore_mem>>)
    %dma_start3A_73 = arith.constant 1264 : i32
    %dma_start3A_74 = tpu.memref_slice %arg22[%dma_start3A_73] : memref<5056xf32, #tpu.memory_space<vmem>> -> memref<632xf32, #tpu.memory_space<vmem>>
    %dma_start3A_75 = tpu.memref_slice %arg8[%min3A_47] : memref<20000xf32, #tpu.memory_space<hbm>> -> memref<632xf32, #tpu.memory_space<hbm>>
    %dma_start3A_76 = arith.constant 1264 : i32
    %dma_start3A_77 = tpu.memref_slice %arg22[%dma_start3A_76] : memref<5056xf32, #tpu.memory_space<vmem>> -> memref<632xf32, #tpu.memory_space<vmem>>
    %dma_start3A_78 = tpu.memref_slice %arg8[%min3A_47] : memref<20000xf32, #tpu.memory_space<hbm>> -> memref<632xf32, #tpu.memory_space<hbm>>
    tpu.enqueue_dma source(%dma_start3A_78 : memref<632xf32, #tpu.memory_space<hbm>>) target(%dma_start3A_77 : memref<632xf32, #tpu.memory_space<vmem>>) target_semaphore(%arg26 : memref<!tpu.dma_semaphore, #tpu.memory_space<semaphore_mem>>)
    %dma_start3A_79 = arith.constant 1896 : i32
    %dma_start3A_80 = tpu.memref_slice %arg22[%dma_start3A_79] : memref<5056xf32, #tpu.memory_space<vmem>> -> memref<632xf32, #tpu.memory_space<vmem>>
    %dma_start3A_81 = tpu.memref_slice %arg9[%min3A_47] : memref<20000xf32, #tpu.memory_space<hbm>> -> memref<632xf32, #tpu.memory_space<hbm>>
    %dma_start3A_82 = arith.constant 1896 : i32
    %dma_start3A_83 = tpu.memref_slice %arg22[%dma_start3A_82] : memref<5056xf32, #tpu.memory_space<vmem>> -> memref<632xf32, #tpu.memory_space<vmem>>
    %dma_start3A_84 = tpu.memref_slice %arg9[%min3A_47] : memref<20000xf32, #tpu.memory_space<hbm>> -> memref<632xf32, #tpu.memory_space<hbm>>
    tpu.enqueue_dma source(%dma_start3A_84 : memref<632xf32, #tpu.memory_space<hbm>>) target(%dma_start3A_83 : memref<632xf32, #tpu.memory_space<vmem>>) target_semaphore(%arg26 : memref<!tpu.dma_semaphore, #tpu.memory_space<semaphore_mem>>)
    %dma_start3A_85 = arith.constant 2528 : i32
    %dma_start3A_86 = tpu.memref_slice %arg22[%dma_start3A_85] : memref<5056xf32, #tpu.memory_space<vmem>> -> memref<632xf32, #tpu.memory_space<vmem>>
    %dma_start3A_87 = tpu.memref_slice %arg10[%min3A_47] : memref<20000xf32, #tpu.memory_space<hbm>> -> memref<632xf32, #tpu.memory_space<hbm>>
    %dma_start3A_88 = arith.constant 2528 : i32
    %dma_start3A_89 = tpu.memref_slice %arg22[%dma_start3A_88] : memref<5056xf32, #tpu.memory_space<vmem>> -> memref<632xf32, #tpu.memory_space<vmem>>
    %dma_start3A_90 = tpu.memref_slice %arg10[%min3A_47] : memref<20000xf32, #tpu.memory_space<hbm>> -> memref<632xf32, #tpu.memory_space<hbm>>
    tpu.enqueue_dma source(%dma_start3A_90 : memref<632xf32, #tpu.memory_space<hbm>>) target(%dma_start3A_89 : memref<632xf32, #tpu.memory_space<vmem>>) target_semaphore(%arg26 : memref<!tpu.dma_semaphore, #tpu.memory_space<semaphore_mem>>)
    %dma_start3A_91 = arith.constant 3160 : i32
    %dma_start3A_92 = tpu.memref_slice %arg22[%dma_start3A_91] : memref<5056xf32, #tpu.memory_space<vmem>> -> memref<632xf32, #tpu.memory_space<vmem>>
    %dma_start3A_93 = tpu.memref_slice %arg11[%min3A_47] : memref<20000xf32, #tpu.memory_space<hbm>> -> memref<632xf32, #tpu.memory_space<hbm>>
    %dma_start3A_94 = arith.constant 3160 : i32
    %dma_start3A_95 = tpu.memref_slice %arg22[%dma_start3A_94] : memref<5056xf32, #tpu.memory_space<vmem>> -> memref<632xf32, #tpu.memory_space<vmem>>
    %dma_start3A_96 = tpu.memref_slice %arg11[%min3A_47] : memref<20000xf32, #tpu.memory_space<hbm>> -> memref<632xf32, #tpu.memory_space<hbm>>
    tpu.enqueue_dma source(%dma_start3A_96 : memref<632xf32, #tpu.memory_space<hbm>>) target(%dma_start3A_95 : memref<632xf32, #tpu.memory_space<vmem>>) target_semaphore(%arg26 : memref<!tpu.dma_semaphore, #tpu.memory_space<semaphore_mem>>)
    %dma_start3A_97 = arith.constant 3792 : i32
    %dma_start3A_98 = tpu.memref_slice %arg22[%dma_start3A_97] : memref<5056xf32, #tpu.memory_space<vmem>> -> memref<632xf32, #tpu.memory_space<vmem>>
    %dma_start3A_99 = tpu.memref_slice %arg12[%min3A_47] : memref<20000xf32, #tpu.memory_space<hbm>> -> memref<632xf32, #tpu.memory_space<hbm>>
    %dma_start3A_100 = arith.constant 3792 : i32
    %dma_start3A_101 = tpu.memref_slice %arg22[%dma_start3A_100] : memref<5056xf32, #tpu.memory_space<vmem>> -> memref<632xf32, #tpu.memory_space<vmem>>
    %dma_start3A_102 = tpu.memref_slice %arg12[%min3A_47] : memref<20000xf32, #tpu.memory_space<hbm>> -> memref<632xf32, #tpu.memory_space<hbm>>
    tpu.enqueue_dma source(%dma_start3A_102 : memref<632xf32, #tpu.memory_space<hbm>>) target(%dma_start3A_101 : memref<632xf32, #tpu.memory_space<vmem>>) target_semaphore(%arg26 : memref<!tpu.dma_semaphore, #tpu.memory_space<semaphore_mem>>)
    %dma_start3A_103 = arith.constant 4424 : i32
    %dma_start3A_104 = tpu.memref_slice %arg22[%dma_start3A_103] : memref<5056xf32, #tpu.memory_space<vmem>> -> memref<632xf32, #tpu.memory_space<vmem>>
    %dma_start3A_105 = tpu.memref_slice %arg13[%min3A_47] : memref<20000xf32, #tpu.memory_space<hbm>> -> memref<632xf32, #tpu.memory_space<hbm>>
    %dma_start3A_106 = arith.constant 4424 : i32
    %dma_start3A_107 = tpu.memref_slice %arg22[%dma_start3A_106] : memref<5056xf32, #tpu.memory_space<vmem>> -> memref<632xf32, #tpu.memory_space<vmem>>
    %dma_start3A_108 = tpu.memref_slice %arg13[%min3A_47] : memref<20000xf32, #tpu.memory_space<hbm>> -> memref<632xf32, #tpu.memory_space<hbm>>
    tpu.enqueue_dma source(%dma_start3A_108 : memref<632xf32, #tpu.memory_space<hbm>>) target(%dma_start3A_107 : memref<632xf32, #tpu.memory_space<vmem>>) target_semaphore(%arg26 : memref<!tpu.dma_semaphore, #tpu.memory_space<semaphore_mem>>)
    %iota3A = tpu.iota {dimensions = array<i32: 0>} : vector<16xi32>
    %and3A_109 = arith.constant 7 : i32
    %and3A_110 = vector.broadcast %and3A_109 : i32 to vector<16xi32>
    %and3A_111 = arith.andi %iota3A, %and3A_110 : vector<16xi32>
    %mul3A_112 = arith.constant 632 : i32
    %mul3A_113 = vector.broadcast %mul3A_112 : i32 to vector<16xi32>
    %mul3A_114 = arith.muli %and3A_111, %mul3A_113 : vector<16xi32>
    %shift_right_arithmetic3A = arith.constant 3 : i32
    %shift_right_arithmetic3A_115 = vector.broadcast %shift_right_arithmetic3A : i32 to vector<16xi32>
    %shift_right_arithmetic3A_116 = arith.shrsi %iota3A, %shift_right_arithmetic3A_115 : vector<16xi32>
    %add3A_117 = arith.addi %mul3A_114, %shift_right_arithmetic3A_116 : vector<16xi32>
    %sub3A_118 = arith.subi %select_n3A, %min3A_47 : i32
    %add3A_119 = vector.broadcast %sub3A_118 : i32 to vector<16xi32>
    %add3A_120 = arith.addi %add3A_117, %add3A_119 : vector<16xi32>
    %broadcast_in_dim3A = arith.constant 0.000000e+00 : f32
    %broadcast_in_dim3A_121 = vector.broadcast %broadcast_in_dim3A : f32 to vector<16xf32>
    %scan3A = arith.constant 0 : i32
    %scan3A_122 = arith.constant 0 : i32
    %scan3A_123 = arith.constant 156 : i32
    %scan3A_124 = arith.addi %scan3A_122, %scan3A_123 : i32
    %scan3A_125 = arith.constant 1 : i32
    scf.for %scan3A_218 = %scan3A_122 to %scan3A_124 step %scan3A_125  : i32 {
      %mul3A_219 = arith.constant 64 : i32
      %mul3A_220 = arith.muli %scan3A_218, %mul3A_219 : i32
      %add3A_221 = arith.constant 0 : i32
      %add3A_222 = arith.addi %mul3A_220, %add3A_221 : i32
      %swap3A_223 = arith.index_cast %add3A_222 : i32 to index
      %swap3A_224 = tpu.vector_load %arg24[%swap3A_223] {strides = array<i32>} : memref<10000xf32, #tpu.memory_space<vmem>>, vector<16xf32>,
      tpu.vector_store %arg24[%swap3A_223], %broadcast_in_dim3A_121 {strides = array<i32>} : memref<10000xf32, #tpu.memory_space<vmem>>, vector<16xf32>,
      %mul3A_225 = arith.constant 64 : i32
      %mul3A_226 = arith.muli %scan3A_218, %mul3A_225 : i32
      %add3A_227 = arith.constant 0 : i32
      %add3A_228 = arith.addi %mul3A_226, %add3A_227 : i32
      %swap3A_229 = arith.index_cast %add3A_228 : i32 to index
      %swap3A_230 = tpu.vector_load %arg25[%swap3A_229] {strides = array<i32>} : memref<10000xf32, #tpu.memory_space<vmem>>, vector<16xf32>,
      tpu.vector_store %arg25[%swap3A_229], %broadcast_in_dim3A_121 {strides = array<i32>} : memref<10000xf32, #tpu.memory_space<vmem>>, vector<16xf32>,
      %mul3A_231 = arith.constant 64 : i32
      %mul3A_232 = arith.muli %scan3A_218, %mul3A_231 : i32
      %add3A_233 = arith.constant 16 : i32
      %add3A_234 = arith.addi %mul3A_232, %add3A_233 : i32
      %swap3A_235 = arith.index_cast %add3A_234 : i32 to index
      %swap3A_236 = tpu.vector_load %arg24[%swap3A_235] {strides = array<i32>} : memref<10000xf32, #tpu.memory_space<vmem>>, vector<16xf32>,
      tpu.vector_store %arg24[%swap3A_235], %broadcast_in_dim3A_121 {strides = array<i32>} : memref<10000xf32, #tpu.memory_space<vmem>>, vector<16xf32>,
      %mul3A_237 = arith.constant 64 : i32
      %mul3A_238 = arith.muli %scan3A_218, %mul3A_237 : i32
      %add3A_239 = arith.constant 16 : i32
      %add3A_240 = arith.addi %mul3A_238, %add3A_239 : i32
      %swap3A_241 = arith.index_cast %add3A_240 : i32 to index
      %swap3A_242 = tpu.vector_load %arg25[%swap3A_241] {strides = array<i32>} : memref<10000xf32, #tpu.memory_space<vmem>>, vector<16xf32>,
      tpu.vector_store %arg25[%swap3A_241], %broadcast_in_dim3A_121 {strides = array<i32>} : memref<10000xf32, #tpu.memory_space<vmem>>, vector<16xf32>,
      %mul3A_243 = arith.constant 64 : i32
      %mul3A_244 = arith.muli %scan3A_218, %mul3A_243 : i32
      %add3A_245 = arith.constant 32 : i32
      %add3A_246 = arith.addi %mul3A_244, %add3A_245 : i32
      %swap3A_247 = arith.index_cast %add3A_246 : i32 to index
      %swap3A_248 = tpu.vector_load %arg24[%swap3A_247] {strides = array<i32>} : memref<10000xf32, #tpu.memory_space<vmem>>, vector<16xf32>,
      tpu.vector_store %arg24[%swap3A_247], %broadcast_in_dim3A_121 {strides = array<i32>} : memref<10000xf32, #tpu.memory_space<vmem>>, vector<16xf32>,
      %mul3A_249 = arith.constant 64 : i32
      %mul3A_250 = arith.muli %scan3A_218, %mul3A_249 : i32
      %add3A_251 = arith.constant 32 : i32
      %add3A_252 = arith.addi %mul3A_250, %add3A_251 : i32
      %swap3A_253 = arith.index_cast %add3A_252 : i32 to index
      %swap3A_254 = tpu.vector_load %arg25[%swap3A_253] {strides = array<i32>} : memref<10000xf32, #tpu.memory_space<vmem>>, vector<16xf32>,
      tpu.vector_store %arg25[%swap3A_253], %broadcast_in_dim3A_121 {strides = array<i32>} : memref<10000xf32, #tpu.memory_space<vmem>>, vector<16xf32>,
      %mul3A_255 = arith.constant 64 : i32
      %mul3A_256 = arith.muli %scan3A_218, %mul3A_255 : i32
      %add3A_257 = arith.constant 48 : i32
      %add3A_258 = arith.addi %mul3A_256, %add3A_257 : i32
      %swap3A_259 = arith.index_cast %add3A_258 : i32 to index
      %swap3A_260 = tpu.vector_load %arg24[%swap3A_259] {strides = array<i32>} : memref<10000xf32, #tpu.memory_space<vmem>>, vector<16xf32>,
      tpu.vector_store %arg24[%swap3A_259], %broadcast_in_dim3A_121 {strides = array<i32>} : memref<10000xf32, #tpu.memory_space<vmem>>, vector<16xf32>,
      %mul3A_261 = arith.constant 64 : i32
      %mul3A_262 = arith.muli %scan3A_218, %mul3A_261 : i32
      %add3A_263 = arith.constant 48 : i32
      %add3A_264 = arith.addi %mul3A_262, %add3A_263 : i32
      %swap3A_265 = arith.index_cast %add3A_264 : i32 to index
      %swap3A_266 = tpu.vector_load %arg25[%swap3A_265] {strides = array<i32>} : memref<10000xf32, #tpu.memory_space<vmem>>, vector<16xf32>,
      tpu.vector_store %arg25[%swap3A_265], %broadcast_in_dim3A_121 {strides = array<i32>} : memref<10000xf32, #tpu.memory_space<vmem>>, vector<16xf32>,
    }
    %scan3A_126 = arith.constant 156 : i32
    %swap3A = arith.constant 9984 : index
    %swap3A_127 = tpu.vector_load %arg24[%swap3A] {strides = array<i32>} : memref<10000xf32, #tpu.memory_space<vmem>>, vector<16xf32>,
    tpu.vector_store %arg24[%swap3A], %broadcast_in_dim3A_121 {strides = array<i32>} : memref<10000xf32, #tpu.memory_space<vmem>>, vector<16xf32>,
    %swap3A_128 = arith.constant 9984 : index
    %swap3A_129 = tpu.vector_load %arg25[%swap3A_128] {strides = array<i32>} : memref<10000xf32, #tpu.memory_space<vmem>>, vector<16xf32>,
    tpu.vector_store %arg25[%swap3A_128], %broadcast_in_dim3A_121 {strides = array<i32>} : memref<10000xf32, #tpu.memory_space<vmem>>, vector<16xf32>,
    tpu.wait_dma2 semaphore(%arg26 : memref<!tpu.dma_semaphore, #tpu.memory_space<semaphore_mem>>) src(%arg2 : memref<10000xf32, #tpu.memory_space<hbm>>) dst(%arg17 : memref<10000xf32, #tpu.memory_space<vmem>>)
    tpu.wait_dma2 semaphore(%arg26 : memref<!tpu.dma_semaphore, #tpu.memory_space<semaphore_mem>>) src(%arg3 : memref<10000xf32, #tpu.memory_space<hbm>>) dst(%arg18 : memref<10000xf32, #tpu.memory_space<vmem>>)
    tpu.wait_dma2 semaphore(%arg26 : memref<!tpu.dma_semaphore, #tpu.memory_space<semaphore_mem>>) src(%arg4 : memref<10000xf32, #tpu.memory_space<hbm>>) dst(%arg19 : memref<10000xf32, #tpu.memory_space<vmem>>)
    %dma_wait3A = arith.constant 0 : i32
    %dma_wait3A_130 = tpu.memref_slice %arg20[%dma_wait3A] : memref<5008xi32, #tpu.memory_space<vmem>> -> memref<5000xi32, #tpu.memory_space<vmem>>
    %dma_wait3A_131 = tpu.memref_slice %arg5[%mul3A_2] : memref<320000xi32, #tpu.memory_space<hbm>> -> memref<5000xi32, #tpu.memory_space<hbm>>
    %dma_wait3A_132 = arith.constant 0 : i32
    %dma_wait3A_133 = tpu.memref_slice %arg20[%dma_wait3A_132] : memref<5008xi32, #tpu.memory_space<vmem>> -> memref<5000xi32, #tpu.memory_space<vmem>>
    %dma_wait3A_134 = tpu.memref_slice %arg5[%mul3A_2] : memref<320000xi32, #tpu.memory_space<hbm>> -> memref<5000xi32, #tpu.memory_space<hbm>>
    tpu.wait_dma2 semaphore(%arg26 : memref<!tpu.dma_semaphore, #tpu.memory_space<semaphore_mem>>) src(%dma_wait3A_134 : memref<5000xi32, #tpu.memory_space<hbm>>) dst(%dma_wait3A_133 : memref<5000xi32, #tpu.memory_space<vmem>>)
    %dma_wait3A_135 = arith.constant 0 : i32
    %dma_wait3A_136 = tpu.memref_slice %arg21[%dma_wait3A_135] : memref<5008xi32, #tpu.memory_space<vmem>> -> memref<5000xi32, #tpu.memory_space<vmem>>
    %dma_wait3A_137 = tpu.memref_slice %arg5[%add3A_54] : memref<320000xi32, #tpu.memory_space<hbm>> -> memref<5000xi32, #tpu.memory_space<hbm>>
    %dma_wait3A_138 = arith.constant 0 : i32
    %dma_wait3A_139 = tpu.memref_slice %arg21[%dma_wait3A_138] : memref<5008xi32, #tpu.memory_space<vmem>> -> memref<5000xi32, #tpu.memory_space<vmem>>
    %dma_wait3A_140 = tpu.memref_slice %arg5[%add3A_54] : memref<320000xi32, #tpu.memory_space<hbm>> -> memref<5000xi32, #tpu.memory_space<hbm>>
    tpu.wait_dma2 semaphore(%arg26 : memref<!tpu.dma_semaphore, #tpu.memory_space<semaphore_mem>>) src(%dma_wait3A_140 : memref<5000xi32, #tpu.memory_space<hbm>>) dst(%dma_wait3A_139 : memref<5000xi32, #tpu.memory_space<vmem>>)
    tpu.wait_dma2 semaphore(%arg26 : memref<!tpu.dma_semaphore, #tpu.memory_space<semaphore_mem>>) src(%arg14 : memref<16xf32, #tpu.memory_space<hbm>>) dst(%arg23 : memref<16xf32, #tpu.memory_space<vmem>>)
    %dma_wait3A_141 = arith.constant 0 : i32
    %dma_wait3A_142 = tpu.memref_slice %arg22[%dma_wait3A_141] : memref<5056xf32, #tpu.memory_space<vmem>> -> memref<632xf32, #tpu.memory_space<vmem>>
    %dma_wait3A_143 = tpu.memref_slice %arg6[%min3A_47] : memref<20000xf32, #tpu.memory_space<hbm>> -> memref<632xf32, #tpu.memory_space<hbm>>
    %dma_wait3A_144 = arith.constant 0 : i32
    %dma_wait3A_145 = tpu.memref_slice %arg22[%dma_wait3A_144] : memref<5056xf32, #tpu.memory_space<vmem>> -> memref<632xf32, #tpu.memory_space<vmem>>
    %dma_wait3A_146 = tpu.memref_slice %arg6[%min3A_47] : memref<20000xf32, #tpu.memory_space<hbm>> -> memref<632xf32, #tpu.memory_space<hbm>>
    tpu.wait_dma2 semaphore(%arg26 : memref<!tpu.dma_semaphore, #tpu.memory_space<semaphore_mem>>) src(%dma_wait3A_146 : memref<632xf32, #tpu.memory_space<hbm>>) dst(%dma_wait3A_145 : memref<632xf32, #tpu.memory_space<vmem>>)
    %dma_wait3A_147 = arith.constant 632 : i32
    %dma_wait3A_148 = tpu.memref_slice %arg22[%dma_wait3A_147] : memref<5056xf32, #tpu.memory_space<vmem>> -> memref<632xf32, #tpu.memory_space<vmem>>
    %dma_wait3A_149 = tpu.memref_slice %arg7[%min3A_47] : memref<20000xf32, #tpu.memory_space<hbm>> -> memref<632xf32, #tpu.memory_space<hbm>>
    %dma_wait3A_150 = arith.constant 632 : i32
    %dma_wait3A_151 = tpu.memref_slice %arg22[%dma_wait3A_150] : memref<5056xf32, #tpu.memory_space<vmem>> -> memref<632xf32, #tpu.memory_space<vmem>>
    %dma_wait3A_152 = tpu.memref_slice %arg7[%min3A_47] : memref<20000xf32, #tpu.memory_space<hbm>> -> memref<632xf32, #tpu.memory_space<hbm>>
    tpu.wait_dma2 semaphore(%arg26 : memref<!tpu.dma_semaphore, #tpu.memory_space<semaphore_mem>>) src(%dma_wait3A_152 : memref<632xf32, #tpu.memory_space<hbm>>) dst(%dma_wait3A_151 : memref<632xf32, #tpu.memory_space<vmem>>)
    %dma_wait3A_153 = arith.constant 1264 : i32
    %dma_wait3A_154 = tpu.memref_slice %arg22[%dma_wait3A_153] : memref<5056xf32, #tpu.memory_space<vmem>> -> memref<632xf32, #tpu.memory_space<vmem>>
    %dma_wait3A_155 = tpu.memref_slice %arg8[%min3A_47] : memref<20000xf32, #tpu.memory_space<hbm>> -> memref<632xf32, #tpu.memory_space<hbm>>
    %dma_wait3A_156 = arith.constant 1264 : i32
    %dma_wait3A_157 = tpu.memref_slice %arg22[%dma_wait3A_156] : memref<5056xf32, #tpu.memory_space<vmem>> -> memref<632xf32, #tpu.memory_space<vmem>>
    %dma_wait3A_158 = tpu.memref_slice %arg8[%min3A_47] : memref<20000xf32, #tpu.memory_space<hbm>> -> memref<632xf32, #tpu.memory_space<hbm>>
    tpu.wait_dma2 semaphore(%arg26 : memref<!tpu.dma_semaphore, #tpu.memory_space<semaphore_mem>>) src(%dma_wait3A_158 : memref<632xf32, #tpu.memory_space<hbm>>) dst(%dma_wait3A_157 : memref<632xf32, #tpu.memory_space<vmem>>)
    %dma_wait3A_159 = arith.constant 1896 : i32
    %dma_wait3A_160 = tpu.memref_slice %arg22[%dma_wait3A_159] : memref<5056xf32, #tpu.memory_space<vmem>> -> memref<632xf32, #tpu.memory_space<vmem>>
    %dma_wait3A_161 = tpu.memref_slice %arg9[%min3A_47] : memref<20000xf32, #tpu.memory_space<hbm>> -> memref<632xf32, #tpu.memory_space<hbm>>
    %dma_wait3A_162 = arith.constant 1896 : i32
    %dma_wait3A_163 = tpu.memref_slice %arg22[%dma_wait3A_162] : memref<5056xf32, #tpu.memory_space<vmem>> -> memref<632xf32, #tpu.memory_space<vmem>>
    %dma_wait3A_164 = tpu.memref_slice %arg9[%min3A_47] : memref<20000xf32, #tpu.memory_space<hbm>> -> memref<632xf32, #tpu.memory_space<hbm>>
    tpu.wait_dma2 semaphore(%arg26 : memref<!tpu.dma_semaphore, #tpu.memory_space<semaphore_mem>>) src(%dma_wait3A_164 : memref<632xf32, #tpu.memory_space<hbm>>) dst(%dma_wait3A_163 : memref<632xf32, #tpu.memory_space<vmem>>)
    %dma_wait3A_165 = arith.constant 2528 : i32
    %dma_wait3A_166 = tpu.memref_slice %arg22[%dma_wait3A_165] : memref<5056xf32, #tpu.memory_space<vmem>> -> memref<632xf32, #tpu.memory_space<vmem>>
    %dma_wait3A_167 = tpu.memref_slice %arg10[%min3A_47] : memref<20000xf32, #tpu.memory_space<hbm>> -> memref<632xf32, #tpu.memory_space<hbm>>
    %dma_wait3A_168 = arith.constant 2528 : i32
    %dma_wait3A_169 = tpu.memref_slice %arg22[%dma_wait3A_168] : memref<5056xf32, #tpu.memory_space<vmem>> -> memref<632xf32, #tpu.memory_space<vmem>>
    %dma_wait3A_170 = tpu.memref_slice %arg10[%min3A_47] : memref<20000xf32, #tpu.memory_space<hbm>> -> memref<632xf32, #tpu.memory_space<hbm>>
    tpu.wait_dma2 semaphore(%arg26 : memref<!tpu.dma_semaphore, #tpu.memory_space<semaphore_mem>>) src(%dma_wait3A_170 : memref<632xf32, #tpu.memory_space<hbm>>) dst(%dma_wait3A_169 : memref<632xf32, #tpu.memory_space<vmem>>)
    %dma_wait3A_171 = arith.constant 3160 : i32
    %dma_wait3A_172 = tpu.memref_slice %arg22[%dma_wait3A_171] : memref<5056xf32, #tpu.memory_space<vmem>> -> memref<632xf32, #tpu.memory_space<vmem>>
    %dma_wait3A_173 = tpu.memref_slice %arg11[%min3A_47] : memref<20000xf32, #tpu.memory_space<hbm>> -> memref<632xf32, #tpu.memory_space<hbm>>
    %dma_wait3A_174 = arith.constant 3160 : i32
    %dma_wait3A_175 = tpu.memref_slice %arg22[%dma_wait3A_174] : memref<5056xf32, #tpu.memory_space<vmem>> -> memref<632xf32, #tpu.memory_space<vmem>>
    %dma_wait3A_176 = tpu.memref_slice %arg11[%min3A_47] : memref<20000xf32, #tpu.memory_space<hbm>> -> memref<632xf32, #tpu.memory_space<hbm>>
    tpu.wait_dma2 semaphore(%arg26 : memref<!tpu.dma_semaphore, #tpu.memory_space<semaphore_mem>>) src(%dma_wait3A_176 : memref<632xf32, #tpu.memory_space<hbm>>) dst(%dma_wait3A_175 : memref<632xf32, #tpu.memory_space<vmem>>)
    %dma_wait3A_177 = arith.constant 3792 : i32
    %dma_wait3A_178 = tpu.memref_slice %arg22[%dma_wait3A_177] : memref<5056xf32, #tpu.memory_space<vmem>> -> memref<632xf32, #tpu.memory_space<vmem>>
    %dma_wait3A_179 = tpu.memref_slice %arg12[%min3A_47] : memref<20000xf32, #tpu.memory_space<hbm>> -> memref<632xf32, #tpu.memory_space<hbm>>
    %dma_wait3A_180 = arith.constant 3792 : i32
    %dma_wait3A_181 = tpu.memref_slice %arg22[%dma_wait3A_180] : memref<5056xf32, #tpu.memory_space<vmem>> -> memref<632xf32, #tpu.memory_space<vmem>>
    %dma_wait3A_182 = tpu.memref_slice %arg12[%min3A_47] : memref<20000xf32, #tpu.memory_space<hbm>> -> memref<632xf32, #tpu.memory_space<hbm>>
    tpu.wait_dma2 semaphore(%arg26 : memref<!tpu.dma_semaphore, #tpu.memory_space<semaphore_mem>>) src(%dma_wait3A_182 : memref<632xf32, #tpu.memory_space<hbm>>) dst(%dma_wait3A_181 : memref<632xf32, #tpu.memory_space<vmem>>)
    %dma_wait3A_183 = arith.constant 4424 : i32
    %dma_wait3A_184 = tpu.memref_slice %arg22[%dma_wait3A_183] : memref<5056xf32, #tpu.memory_space<vmem>> -> memref<632xf32, #tpu.memory_space<vmem>>
    %dma_wait3A_185 = tpu.memref_slice %arg13[%min3A_47] : memref<20000xf32, #tpu.memory_space<hbm>> -> memref<632xf32, #tpu.memory_space<hbm>>
    %dma_wait3A_186 = arith.constant 4424 : i32
    %dma_wait3A_187 = tpu.memref_slice %arg22[%dma_wait3A_186] : memref<5056xf32, #tpu.memory_space<vmem>> -> memref<632xf32, #tpu.memory_space<vmem>>
    %dma_wait3A_188 = tpu.memref_slice %arg13[%min3A_47] : memref<20000xf32, #tpu.memory_space<hbm>> -> memref<632xf32, #tpu.memory_space<hbm>>
    tpu.wait_dma2 semaphore(%arg26 : memref<!tpu.dma_semaphore, #tpu.memory_space<semaphore_mem>>) src(%dma_wait3A_188 : memref<632xf32, #tpu.memory_space<hbm>>) dst(%dma_wait3A_187 : memref<632xf32, #tpu.memory_space<vmem>>)
    %get3A = arith.constant 0 : index
    %get3A_189 = tpu.vector_load %arg23[%get3A] {strides = array<i32>} : memref<16xf32, #tpu.memory_space<vmem>>, vector<16xf32>,
    %scan3A_190 = arith.constant 0 : i32
    %scan3A_191 = arith.constant 0 : i32
    %scan3A_192 = arith.constant 156 : i32
    %scan3A_193 = arith.addi %scan3A_191, %scan3A_192 : i32
    %scan3A_194 = arith.constant 1 : i32
    scf.for %scan3A_218 = %scan3A_191 to %scan3A_193 step %scan3A_194  : i32 {
      %mul3A_219 = arith.constant 32 : i32
      %mul3A_220 = arith.muli %scan3A_218, %mul3A_219 : i32
      %get3A_221 = arith.index_cast %mul3A_220 : i32 to index
      %get3A_222 = tpu.vector_load %arg20[%get3A_221] {strides = array<i32>} : memref<5008xi32, #tpu.memory_space<vmem>>, vector<16xi32>,
      %get3A_223 = arith.index_cast %mul3A_220 : i32 to index
      %get3A_224 = tpu.vector_load %arg21[%get3A_223] {strides = array<i32>} : memref<5008xi32, #tpu.memory_space<vmem>>, vector<16xi32>,
      %jit3A_225 = arith.constant 8 : i32
      %div3A_226 = arith.divsi %mul3A_220, %jit3A_225 : i32
      %sign3A_227 = arith.constant 0 : i32
      %sign3A_228 = arith.cmpi sgt, %mul3A_220, %sign3A_227 : i32
      %sign3A_229 = arith.extui %sign3A_228 : i1 to i32
      %sign3A_230 = arith.constant 0 : i32
      %sign3A_231 = arith.cmpi slt, %mul3A_220, %sign3A_230 : i32
      %sign3A_232 = arith.extui %sign3A_231 : i1 to i32
      %sign3A_233 = arith.subi %sign3A_229, %sign3A_232 : i32
      %sign3A_234 = arith.constant 0 : i32
      %sign3A_235 = arith.cmpi sgt, %jit3A_225, %sign3A_234 : i32
      %sign3A_236 = arith.extui %sign3A_235 : i1 to i32
      %sign3A_237 = arith.constant 0 : i32
      %sign3A_238 = arith.cmpi slt, %jit3A_225, %sign3A_237 : i32
      %sign3A_239 = arith.extui %sign3A_238 : i1 to i32
      %sign3A_240 = arith.subi %sign3A_236, %sign3A_239 : i32
      %ne3A_241 = arith.cmpi ne, %sign3A_233, %sign3A_240 : i32
      %rem3A_242 = arith.remsi %mul3A_220, %jit3A_225 : i32
      %ne3A_243 = arith.constant 0 : i32
      %ne3A_244 = arith.cmpi ne, %rem3A_242, %ne3A_243 : i32
      %and3A_245 = arith.andi %ne3A_241, %ne3A_244 : i1
      %sub3A_246 = arith.constant 1 : i32
      %sub3A_247 = arith.subi %div3A_226, %sub3A_246 : i32
      %select_n3A_248 = arith.select %and3A_245, %sub3A_247, %div3A_226 : i32
      %add3A_249 = vector.broadcast %select_n3A_248 : i32 to vector<16xi32>
      %add3A_250 = arith.addi %add3A_120, %add3A_249 : vector<16xi32>
      %gather3A_251 = tpu.vector_load_idx %arg22[%add3A_250] : memref<5056xf32, #tpu.memory_space<vmem>>[vector<16xi32>], vector<16xf32>,
      %gather3A_252 = tpu.vector_load_idx %arg17[%get3A_222] : memref<10000xf32, #tpu.memory_space<vmem>>[vector<16xi32>], vector<16xf32>,
      %gather3A_253 = tpu.vector_load_idx %arg18[%get3A_224] : memref<10000xf32, #tpu.memory_space<vmem>>[vector<16xi32>], vector<16xf32>,
      %gather3A_254 = tpu.vector_load_idx %arg19[%get3A_222] : memref<10000xf32, #tpu.memory_space<vmem>>[vector<16xi32>], vector<16xf32>,
      %add3A_255 = arith.addf %gather3A_252, %gather3A_253 : vector<16xf32>
      %add3A_256 = arith.addf %add3A_255, %gather3A_251 : vector<16xf32>
      %ge3A_257 = arith.constant 0.000000e+00 : f32
      %ge3A_258 = vector.broadcast %ge3A_257 : f32 to vector<16xf32>
      %ge3A_259 = arith.cmpf oge, %add3A_256, %ge3A_258 : vector<16xf32>
      %mul3A_260 = arith.constant 2.000000e-01 : f32
      %mul3A_261 = vector.broadcast %mul3A_260 : f32 to vector<16xf32>
      %mul3A_262 = arith.mulf %add3A_256, %mul3A_261 : vector<16xf32>
      %select_n3A_263 = arith.select %ge3A_259, %add3A_256, %mul3A_262 : vector<16xi1>, vector<16xf32>
      %sub3A_264 = arith.subf %select_n3A_263, %get3A_189 : vector<16xf32>
      %exp3A_265 = math.exp %sub3A_264 : vector<16xf32>
      tpu.vector_store_idx %arg25[%get3A_224], %exp3A_265 {add = true} : memref<10000xf32, #tpu.memory_space<vmem>>[vector<16xi32>], vector<16xf32>,
      %mul3A_266 = arith.mulf %exp3A_265, %gather3A_254 : vector<16xf32>
      tpu.vector_store_idx %arg24[%get3A_224], %mul3A_266 {add = true} : memref<10000xf32, #tpu.memory_space<vmem>>[vector<16xi32>], vector<16xf32>,
      %mul3A_267 = arith.constant 32 : i32
      %mul3A_268 = arith.muli %scan3A_218, %mul3A_267 : i32
      %add3A_269 = arith.constant 16 : i32
      %add3A_270 = arith.addi %mul3A_268, %add3A_269 : i32
      %get3A_271 = arith.index_cast %add3A_270 : i32 to index
      %get3A_272 = tpu.vector_load %arg20[%get3A_271] {strides = array<i32>} : memref<5008xi32, #tpu.memory_space<vmem>>, vector<16xi32>,
      %get3A_273 = arith.index_cast %add3A_270 : i32 to index
      %get3A_274 = tpu.vector_load %arg21[%get3A_273] {strides = array<i32>} : memref<5008xi32, #tpu.memory_space<vmem>>, vector<16xi32>,
      %jit3A_275 = arith.constant 8 : i32
      %div3A_276 = arith.divsi %add3A_270, %jit3A_275 : i32
      %sign3A_277 = arith.constant 0 : i32
      %sign3A_278 = arith.cmpi sgt, %add3A_270, %sign3A_277 : i32
      %sign3A_279 = arith.extui %sign3A_278 : i1 to i32
      %sign3A_280 = arith.constant 0 : i32
      %sign3A_281 = arith.cmpi slt, %add3A_270, %sign3A_280 : i32
      %sign3A_282 = arith.extui %sign3A_281 : i1 to i32
      %sign3A_283 = arith.subi %sign3A_279, %sign3A_282 : i32
      %sign3A_284 = arith.constant 0 : i32
      %sign3A_285 = arith.cmpi sgt, %jit3A_275, %sign3A_284 : i32
      %sign3A_286 = arith.extui %sign3A_285 : i1 to i32
      %sign3A_287 = arith.constant 0 : i32
      %sign3A_288 = arith.cmpi slt, %jit3A_275, %sign3A_287 : i32
      %sign3A_289 = arith.extui %sign3A_288 : i1 to i32
      %sign3A_290 = arith.subi %sign3A_286, %sign3A_289 : i32
      %ne3A_291 = arith.cmpi ne, %sign3A_283, %sign3A_290 : i32
      %rem3A_292 = arith.remsi %add3A_270, %jit3A_275 : i32
      %ne3A_293 = arith.constant 0 : i32
      %ne3A_294 = arith.cmpi ne, %rem3A_292, %ne3A_293 : i32
      %and3A_295 = arith.andi %ne3A_291, %ne3A_294 : i1
      %sub3A_296 = arith.constant 1 : i32
      %sub3A_297 = arith.subi %div3A_276, %sub3A_296 : i32
      %select_n3A_298 = arith.select %and3A_295, %sub3A_297, %div3A_276 : i32
      %add3A_299 = vector.broadcast %select_n3A_298 : i32 to vector<16xi32>
      %add3A_300 = arith.addi %add3A_120, %add3A_299 : vector<16xi32>
      %gather3A_301 = tpu.vector_load_idx %arg22[%add3A_300] : memref<5056xf32, #tpu.memory_space<vmem>>[vector<16xi32>], vector<16xf32>,
      %gather3A_302 = tpu.vector_load_idx %arg17[%get3A_272] : memref<10000xf32, #tpu.memory_space<vmem>>[vector<16xi32>], vector<16xf32>,
      %gather3A_303 = tpu.vector_load_idx %arg18[%get3A_274] : memref<10000xf32, #tpu.memory_space<vmem>>[vector<16xi32>], vector<16xf32>,
      %gather3A_304 = tpu.vector_load_idx %arg19[%get3A_272] : memref<10000xf32, #tpu.memory_space<vmem>>[vector<16xi32>], vector<16xf32>,
      %add3A_305 = arith.addf %gather3A_302, %gather3A_303 : vector<16xf32>
      %add3A_306 = arith.addf %add3A_305, %gather3A_301 : vector<16xf32>
      %ge3A_307 = arith.constant 0.000000e+00 : f32
      %ge3A_308 = vector.broadcast %ge3A_307 : f32 to vector<16xf32>
      %ge3A_309 = arith.cmpf oge, %add3A_306, %ge3A_308 : vector<16xf32>
      %mul3A_310 = arith.constant 2.000000e-01 : f32
      %mul3A_311 = vector.broadcast %mul3A_310 : f32 to vector<16xf32>
      %mul3A_312 = arith.mulf %add3A_306, %mul3A_311 : vector<16xf32>
      %select_n3A_313 = arith.select %ge3A_309, %add3A_306, %mul3A_312 : vector<16xi1>, vector<16xf32>
      %sub3A_314 = arith.subf %select_n3A_313, %get3A_189 : vector<16xf32>
      %exp3A_315 = math.exp %sub3A_314 : vector<16xf32>
      tpu.vector_store_idx %arg25[%get3A_274], %exp3A_315 {add = true} : memref<10000xf32, #tpu.memory_space<vmem>>[vector<16xi32>], vector<16xf32>,
      %mul3A_316 = arith.mulf %exp3A_315, %gather3A_304 : vector<16xf32>
      tpu.vector_store_idx %arg24[%get3A_274], %mul3A_316 {add = true} : memref<10000xf32, #tpu.memory_space<vmem>>[vector<16xi32>], vector<16xf32>,
    }
    %scan3A_195 = arith.constant 156 : i32
    %lt3A = arith.constant 8 : i32
    %lt3A_196 = vector.broadcast %lt3A : i32 to vector<16xi32>
    %lt3A_197 = arith.cmpi slt, %iota3A, %lt3A_196 : vector<16xi32>
    %get3A_198 = arith.constant 4992 : index
    %get3A_199 = tpu.vector_load %arg20[%get3A_198] {strides = array<i32>} : memref<5008xi32, #tpu.memory_space<vmem>>, vector<16xi32>,
    %get3A_200 = arith.constant 4992 : index
    %get3A_201 = tpu.vector_load %arg21[%get3A_200] {strides = array<i32>} : memref<5008xi32, #tpu.memory_space<vmem>>, vector<16xi32>,
    %add3A_202 = arith.constant 624 : i32
    %add3A_203 = vector.broadcast %add3A_202 : i32 to vector<16xi32>
    %add3A_204 = arith.addi %add3A_120, %add3A_203 : vector<16xi32>
    %gather3A = tpu.vector_load_idx %arg22[%add3A_204] masked %lt3A_197 : memref<5056xf32, #tpu.memory_space<vmem>>[vector<16xi32>], vector<16xf32>, vector<16xi1>
    %gather3A_205 = tpu.vector_load_idx %arg17[%get3A_199] masked %lt3A_197 : memref<10000xf32, #tpu.memory_space<vmem>>[vector<16xi32>], vector<16xf32>, vector<16xi1>
    %gather3A_206 = tpu.vector_load_idx %arg18[%get3A_201] masked %lt3A_197 : memref<10000xf32, #tpu.memory_space<vmem>>[vector<16xi32>], vector<16xf32>, vector<16xi1>
    %gather3A_207 = tpu.vector_load_idx %arg19[%get3A_199] masked %lt3A_197 : memref<10000xf32, #tpu.memory_space<vmem>>[vector<16xi32>], vector<16xf32>, vector<16xi1>
    %add3A_208 = arith.addf %gather3A_205, %gather3A_206 : vector<16xf32>
    %add3A_209 = arith.addf %add3A_208, %gather3A : vector<16xf32>
    %ge3A = arith.constant 0.000000e+00 : f32
    %ge3A_210 = vector.broadcast %ge3A : f32 to vector<16xf32>
    %ge3A_211 = arith.cmpf oge, %add3A_209, %ge3A_210 : vector<16xf32>
    %mul3A_212 = arith.constant 2.000000e-01 : f32
    %mul3A_213 = vector.broadcast %mul3A_212 : f32 to vector<16xf32>
    %mul3A_214 = arith.mulf %add3A_209, %mul3A_213 : vector<16xf32>
    %select_n3A_215 = arith.select %ge3A_211, %add3A_209, %mul3A_214 : vector<16xi1>, vector<16xf32>
    %sub3A_216 = arith.subf %select_n3A_215, %get3A_189 : vector<16xf32>
    %exp3A = math.exp %sub3A_216 : vector<16xf32>
    tpu.vector_store_idx %arg25[%get3A_201], %exp3A masked %lt3A_197 {add = true} : memref<10000xf32, #tpu.memory_space<vmem>>[vector<16xi32>], vector<16xf32>, vector<16xi1>
    %mul3A_217 = arith.mulf %exp3A, %gather3A_207 : vector<16xf32>
    tpu.vector_store_idx %arg24[%get3A_201], %mul3A_217 masked %lt3A_197 {add = true} : memref<10000xf32, #tpu.memory_space<vmem>>[vector<16xi32>], vector<16xf32>, vector<16xi1>
    "tpu.region"() ({
      %run_scoped3A = tpu.sem_alloc : memref<!tpu.dma_semaphore, #tpu.memory_space<semaphore_mem>>
      %dma_start3A_218 = arith.constant 0 : i32
      %dma_start3A_219 = tpu.memref_slice %arg15[%add3A, %dma_start3A_218] : memref<32x10000xf32, #tpu.memory_space<hbm>> -> memref<1x10000xf32, #tpu.memory_space<hbm>>
      %dma_start3A_220 = tpu.memref_squeeze %dma_start3A_219 : memref<1x10000xf32, #tpu.memory_space<hbm>> -> memref<10000xf32, #tpu.memory_space<hbm>>
      %dma_start3A_221 = arith.constant 0 : i32
      %dma_start3A_222 = tpu.memref_slice %arg15[%add3A, %dma_start3A_221] : memref<32x10000xf32, #tpu.memory_space<hbm>> -> memref<1x10000xf32, #tpu.memory_space<hbm>>
      %dma_start3A_223 = tpu.memref_squeeze %dma_start3A_222 : memref<1x10000xf32, #tpu.memory_space<hbm>> -> memref<10000xf32, #tpu.memory_space<hbm>>
      tpu.enqueue_dma source(%arg24 : memref<10000xf32, #tpu.memory_space<vmem>>) target(%dma_start3A_223 : memref<10000xf32, #tpu.memory_space<hbm>>) target_semaphore(%run_scoped3A : memref<!tpu.dma_semaphore, #tpu.memory_space<semaphore_mem>>)
      %dma_wait3A_224 = arith.constant 0 : i32
      %dma_wait3A_225 = tpu.memref_slice %arg15[%add3A, %dma_wait3A_224] : memref<32x10000xf32, #tpu.memory_space<hbm>> -> memref<1x10000xf32, #tpu.memory_space<hbm>>
      %dma_wait3A_226 = tpu.memref_squeeze %dma_wait3A_225 : memref<1x10000xf32, #tpu.memory_space<hbm>> -> memref<10000xf32, #tpu.memory_space<hbm>>
      %dma_wait3A_227 = arith.constant 0 : i32
      %dma_wait3A_228 = tpu.memref_slice %arg15[%add3A, %dma_wait3A_227] : memref<32x10000xf32, #tpu.memory_space<hbm>> -> memref<1x10000xf32, #tpu.memory_space<hbm>>
      %dma_wait3A_229 = tpu.memref_squeeze %dma_wait3A_228 : memref<1x10000xf32, #tpu.memory_space<hbm>> -> memref<10000xf32, #tpu.memory_space<hbm>>
      tpu.wait_dma2 semaphore(%run_scoped3A : memref<!tpu.dma_semaphore, #tpu.memory_space<semaphore_mem>>) src(%arg24 : memref<10000xf32, #tpu.memory_space<vmem>>) dst(%dma_wait3A_229 : memref<10000xf32, #tpu.memory_space<hbm>>)
      tpu.yield
    }) : () -> ()
    "tpu.region"() ({
      %run_scoped3A = tpu.sem_alloc : memref<!tpu.dma_semaphore, #tpu.memory_space<semaphore_mem>>
      %dma_start3A_218 = arith.constant 0 : i32
      %dma_start3A_219 = tpu.memref_slice %arg16[%add3A, %dma_start3A_218] : memref<32x10000xf32, #tpu.memory_space<hbm>> -> memref<1x10000xf32, #tpu.memory_space<hbm>>
      %dma_start3A_220 = tpu.memref_squeeze %dma_start3A_219 : memref<1x10000xf32, #tpu.memory_space<hbm>> -> memref<10000xf32, #tpu.memory_space<hbm>>
      %dma_start3A_221 = arith.constant 0 : i32
      %dma_start3A_222 = tpu.memref_slice %arg16[%add3A, %dma_start3A_221] : memref<32x10000xf32, #tpu.memory_space<hbm>> -> memref<1x10000xf32, #tpu.memory_space<hbm>>
      %dma_start3A_223 = tpu.memref_squeeze %dma_start3A_222 : memref<1x10000xf32, #tpu.memory_space<hbm>> -> memref<10000xf32, #tpu.memory_space<hbm>>
      tpu.enqueue_dma source(%arg25 : memref<10000xf32, #tpu.memory_space<vmem>>) target(%dma_start3A_223 : memref<10000xf32, #tpu.memory_space<hbm>>) target_semaphore(%run_scoped3A : memref<!tpu.dma_semaphore, #tpu.memory_space<semaphore_mem>>)
      %dma_wait3A_224 = arith.constant 0 : i32
      %dma_wait3A_225 = tpu.memref_slice %arg16[%add3A, %dma_wait3A_224] : memref<32x10000xf32, #tpu.memory_space<hbm>> -> memref<1x10000xf32, #tpu.memory_space<hbm>>
      %dma_wait3A_226 = tpu.memref_squeeze %dma_wait3A_225 : memref<1x10000xf32, #tpu.memory_space<hbm>> -> memref<10000xf32, #tpu.memory_space<hbm>>
      %dma_wait3A_227 = arith.constant 0 : i32
      %dma_wait3A_228 = tpu.memref_slice %arg16[%add3A, %dma_wait3A_227] : memref<32x10000xf32, #tpu.memory_space<hbm>> -> memref<1x10000xf32, #tpu.memory_space<hbm>>
      %dma_wait3A_229 = tpu.memref_squeeze %dma_wait3A_228 : memref<1x10000xf32, #tpu.memory_space<hbm>> -> memref<10000xf32, #tpu.memory_space<hbm>>
      tpu.wait_dma2 semaphore(%run_scoped3A : memref<!tpu.dma_semaphore, #tpu.memory_space<semaphore_mem>>) src(%arg25 : memref<10000xf32, #tpu.memory_space<vmem>>) dst(%dma_wait3A_229 : memref<10000xf32, #tpu.memory_space<hbm>>)
      tpu.yield
    }) : () -> ()
    return
  }
}

module attributes {stable_mosaic.version = 14 : i64} {
  func.func @_tc2_body(%arg0: memref<20000x128xf32, #tpu.memory_space<vmem>>, %arg1: memref<16x384xf32, #tpu.memory_space<vmem>>, %arg2: memref<384x1xf32, #tpu.memory_space<vmem>>, %arg3: memref<20000xf32, #tpu.memory_space<vmem>>, %arg4: memref<20000xf32, #tpu.memory_space<vmem>>, %arg5: memref<20000xf32, #tpu.memory_space<vmem>>, %arg6: memref<20000xf32, #tpu.memory_space<vmem>>, %arg7: memref<20000xf32, #tpu.memory_space<vmem>>, %arg8: memref<20000xf32, #tpu.memory_space<vmem>>, %arg9: memref<20000xf32, #tpu.memory_space<vmem>>, %arg10: memref<20000xf32, #tpu.memory_space<vmem>>, %arg11: memref<8x128xf32, #tpu.memory_space<vmem>>) attributes {dimension_semantics = [], scalar_prefetch = 0 : i64, scratch_operands = 0 : i64, tpu.core_type = #tpu.core_type<tc>} {
    %get3A = arith.constant 0 : index
    %get3A_0 = arith.constant 0 : index
    %get3A_1 = vector.load %arg1[%get3A, %get3A_0] : memref<16x384xf32, #tpu.memory_space<vmem>>, vector<16x384xf32>
    %get3A_2 = arith.constant 0 : index
    %get3A_3 = arith.constant 0 : index
    %get3A_4 = vector.load %arg2[%get3A_2, %get3A_3] : memref<384x1xf32, #tpu.memory_space<vmem>>, vector<384x1xf32>
    %dot_general3A = arith.constant dense<0.000000e+00> : vector<16x1xf32>
    %dot_general3A_5 = tpu.matmul %get3A_1, %get3A_4, %dot_general3A {dimension_numbers = #tpu.dot_dimension_numbers<[1], [0], [0], [1], [0, 0, 1, 1], [], []>, transpose_lhs_hint = false} : vector<16x384xf32>, vector<384x1xf32>, vector<16x1xf32> -> vector<16x1xf32>
    %reshape3A = vector.shape_cast %dot_general3A_5 : vector<16x1xf32> to vector<1x16x1xf32>
    %broadcast_in_dim3A = vector.shape_cast %reshape3A : vector<1x16x1xf32> to vector<1x16x1xf32>
    %broadcast_in_dim3A_6 = vector.broadcast %broadcast_in_dim3A : vector<1x16x1xf32> to vector<8x16x1xf32>
    %reshape3A_7 = vector.shape_cast %broadcast_in_dim3A_6 : vector<8x16x1xf32> to vector<128x1xf32>
    %iota3A = tpu.iota {dimensions = array<i32: 0>} : vector<128x8xi32>
    %iota3A_8 = tpu.iota {dimensions = array<i32: 1>} : vector<128x8xi32>
    %jit3A = arith.constant 16 : i32
    %div3A = vector.broadcast %jit3A : i32 to vector<128x8xi32>
    %div3A_9 = arith.divsi %iota3A, %div3A : vector<128x8xi32>
    %sign3A = arith.constant 0 : i32
    %sign3A_10 = vector.broadcast %sign3A : i32 to vector<128x8xi32>
    %sign3A_11 = arith.cmpi sgt, %iota3A, %sign3A_10 : vector<128x8xi32>
    %sign3A_12 = arith.extui %sign3A_11 : vector<128x8xi1> to vector<128x8xi32>
    %sign3A_13 = arith.constant 0 : i32
    %sign3A_14 = vector.broadcast %sign3A_13 : i32 to vector<128x8xi32>
    %sign3A_15 = arith.cmpi slt, %iota3A, %sign3A_14 : vector<128x8xi32>
    %sign3A_16 = arith.extui %sign3A_15 : vector<128x8xi1> to vector<128x8xi32>
    %sign3A_17 = arith.subi %sign3A_12, %sign3A_16 : vector<128x8xi32>
    %sign3A_18 = arith.constant 0 : i32
    %sign3A_19 = arith.cmpi sgt, %jit3A, %sign3A_18 : i32
    %sign3A_20 = arith.extui %sign3A_19 : i1 to i32
    %sign3A_21 = arith.constant 0 : i32
    %sign3A_22 = arith.cmpi slt, %jit3A, %sign3A_21 : i32
    %sign3A_23 = arith.extui %sign3A_22 : i1 to i32
    %sign3A_24 = arith.subi %sign3A_20, %sign3A_23 : i32
    %ne3A = vector.broadcast %sign3A_24 : i32 to vector<128x8xi32>
    %ne3A_25 = arith.cmpi ne, %sign3A_17, %ne3A : vector<128x8xi32>
    %rem3A = vector.broadcast %jit3A : i32 to vector<128x8xi32>
    %rem3A_26 = arith.remsi %iota3A, %rem3A : vector<128x8xi32>
    %ne3A_27 = arith.constant 0 : i32
    %ne3A_28 = vector.broadcast %ne3A_27 : i32 to vector<128x8xi32>
    %ne3A_29 = arith.cmpi ne, %rem3A_26, %ne3A_28 : vector<128x8xi32>
    %and3A = arith.andi %ne3A_25, %ne3A_29 : vector<128x8xi1>
    %sub3A = arith.constant 1 : i32
    %sub3A_30 = vector.broadcast %sub3A : i32 to vector<128x8xi32>
    %sub3A_31 = arith.subi %div3A_9, %sub3A_30 : vector<128x8xi32>
    %select_n3A = arith.select %and3A, %sub3A_31, %div3A_9 : vector<128x8xi1>, vector<128x8xi32>
    %eq3A = arith.cmpi eq, %select_n3A, %iota3A_8 : vector<128x8xi32>
    %jit3A_32 = arith.constant 0.000000e+00 : f32
    %broadcast_in_dim3A_33 = vector.shape_cast %reshape3A_7 : vector<128x1xf32> to vector<128x1xf32>
    %broadcast_in_dim3A_34 = vector.broadcast %broadcast_in_dim3A_33 : vector<128x1xf32> to vector<128x8xf32>
    %broadcast_in_dim3A_35 = vector.broadcast %jit3A_32 : f32 to vector<128x8xf32>
    %select_n3A_36 = arith.select %eq3A, %broadcast_in_dim3A_34, %broadcast_in_dim3A_35 : vector<128x8xi1>, vector<128x8xf32>
    %get3A_37 = arith.constant 0 : index
    %get3A_38 = arith.constant 0 : index
    %get3A_39 = vector.load %arg0[%get3A_37, %get3A_38] : memref<20000x128xf32, #tpu.memory_space<vmem>>, vector<20000x128xf32>
    %dot_general3A_40 = arith.constant dense<0.000000e+00> : vector<8x20000xf32>
    %dot_general3A_41 = tpu.matmul %select_n3A_36, %get3A_39, %dot_general3A_40 {dimension_numbers = #tpu.dot_dimension_numbers<[0], [1], [1], [0], [0, 1, 1, 0], [], []>, transpose_lhs_hint = false} : vector<128x8xf32>, vector<20000x128xf32>, vector<8x20000xf32> -> vector<8x20000xf32>
    %slice3A = vector.extract_strided_slice %dot_general3A_41 {offsets = [0, 0], sizes = [1, 20000], strides = [1, 1]} : vector<8x20000xf32> to vector<1x20000xf32>
    %squeeze3A = vector.shape_cast %slice3A : vector<1x20000xf32> to vector<20000xf32>
    %swap3A = arith.constant 0 : index
    %swap3A_42 = vector.load %arg3[%swap3A] : memref<20000xf32, #tpu.memory_space<vmem>>, vector<20000xf32>
    tpu.vector_store %arg3[%swap3A], %squeeze3A {strides = array<i32>} : memref<20000xf32, #tpu.memory_space<vmem>>, vector<20000xf32>,
    %slice3A_43 = vector.extract_strided_slice %dot_general3A_41 {offsets = [1, 0], sizes = [1, 20000], strides = [1, 1]} : vector<8x20000xf32> to vector<1x20000xf32>
    %squeeze3A_44 = vector.shape_cast %slice3A_43 : vector<1x20000xf32> to vector<20000xf32>
    %swap3A_45 = arith.constant 0 : index
    %swap3A_46 = vector.load %arg4[%swap3A_45] : memref<20000xf32, #tpu.memory_space<vmem>>, vector<20000xf32>
    tpu.vector_store %arg4[%swap3A_45], %squeeze3A_44 {strides = array<i32>} : memref<20000xf32, #tpu.memory_space<vmem>>, vector<20000xf32>,
    %slice3A_47 = vector.extract_strided_slice %dot_general3A_41 {offsets = [2, 0], sizes = [1, 20000], strides = [1, 1]} : vector<8x20000xf32> to vector<1x20000xf32>
    %squeeze3A_48 = vector.shape_cast %slice3A_47 : vector<1x20000xf32> to vector<20000xf32>
    %swap3A_49 = arith.constant 0 : index
    %swap3A_50 = vector.load %arg5[%swap3A_49] : memref<20000xf32, #tpu.memory_space<vmem>>, vector<20000xf32>
    tpu.vector_store %arg5[%swap3A_49], %squeeze3A_48 {strides = array<i32>} : memref<20000xf32, #tpu.memory_space<vmem>>, vector<20000xf32>,
    %slice3A_51 = vector.extract_strided_slice %dot_general3A_41 {offsets = [3, 0], sizes = [1, 20000], strides = [1, 1]} : vector<8x20000xf32> to vector<1x20000xf32>
    %squeeze3A_52 = vector.shape_cast %slice3A_51 : vector<1x20000xf32> to vector<20000xf32>
    %swap3A_53 = arith.constant 0 : index
    %swap3A_54 = vector.load %arg6[%swap3A_53] : memref<20000xf32, #tpu.memory_space<vmem>>, vector<20000xf32>
    tpu.vector_store %arg6[%swap3A_53], %squeeze3A_52 {strides = array<i32>} : memref<20000xf32, #tpu.memory_space<vmem>>, vector<20000xf32>,
    %slice3A_55 = vector.extract_strided_slice %dot_general3A_41 {offsets = [4, 0], sizes = [1, 20000], strides = [1, 1]} : vector<8x20000xf32> to vector<1x20000xf32>
    %squeeze3A_56 = vector.shape_cast %slice3A_55 : vector<1x20000xf32> to vector<20000xf32>
    %swap3A_57 = arith.constant 0 : index
    %swap3A_58 = vector.load %arg7[%swap3A_57] : memref<20000xf32, #tpu.memory_space<vmem>>, vector<20000xf32>
    tpu.vector_store %arg7[%swap3A_57], %squeeze3A_56 {strides = array<i32>} : memref<20000xf32, #tpu.memory_space<vmem>>, vector<20000xf32>,
    %slice3A_59 = vector.extract_strided_slice %dot_general3A_41 {offsets = [5, 0], sizes = [1, 20000], strides = [1, 1]} : vector<8x20000xf32> to vector<1x20000xf32>
    %squeeze3A_60 = vector.shape_cast %slice3A_59 : vector<1x20000xf32> to vector<20000xf32>
    %swap3A_61 = arith.constant 0 : index
    %swap3A_62 = vector.load %arg8[%swap3A_61] : memref<20000xf32, #tpu.memory_space<vmem>>, vector<20000xf32>
    tpu.vector_store %arg8[%swap3A_61], %squeeze3A_60 {strides = array<i32>} : memref<20000xf32, #tpu.memory_space<vmem>>, vector<20000xf32>,
    %slice3A_63 = vector.extract_strided_slice %dot_general3A_41 {offsets = [6, 0], sizes = [1, 20000], strides = [1, 1]} : vector<8x20000xf32> to vector<1x20000xf32>
    %squeeze3A_64 = vector.shape_cast %slice3A_63 : vector<1x20000xf32> to vector<20000xf32>
    %swap3A_65 = arith.constant 0 : index
    %swap3A_66 = vector.load %arg9[%swap3A_65] : memref<20000xf32, #tpu.memory_space<vmem>>, vector<20000xf32>
    tpu.vector_store %arg9[%swap3A_65], %squeeze3A_64 {strides = array<i32>} : memref<20000xf32, #tpu.memory_space<vmem>>, vector<20000xf32>,
    %slice3A_67 = vector.extract_strided_slice %dot_general3A_41 {offsets = [7, 0], sizes = [1, 20000], strides = [1, 1]} : vector<8x20000xf32> to vector<1x20000xf32>
    %squeeze3A_68 = vector.shape_cast %slice3A_67 : vector<1x20000xf32> to vector<20000xf32>
    %swap3A_69 = arith.constant 0 : index
    %swap3A_70 = vector.load %arg10[%swap3A_69] : memref<20000xf32, #tpu.memory_space<vmem>>, vector<20000xf32>
    tpu.vector_store %arg10[%swap3A_69], %squeeze3A_68 {strides = array<i32>} : memref<20000xf32, #tpu.memory_space<vmem>>, vector<20000xf32>,
    %reduce_max3A = vector.shape_cast %dot_general3A_41 : vector<8x20000xf32> to vector<1x8x20000xf32>
    %reduce_max3A_71 = arith.constant dense<0xFF800000> : vector<1xf32>
    %reduce_max3A_72 = vector.multi_reduction <maximumf>, %reduce_max3A, %reduce_max3A_71 [1, 2] : vector<1x8x20000xf32> to vector<1xf32>
    %reduce_max3A_73 = vector.shape_cast %reduce_max3A_72 : vector<1xf32> to vector<1x1x1xf32>
    %reduce_max3A_74 = vector.extract %reduce_max3A_73[0, 0, 0] : f32 from vector<1x1x1xf32>
    %broadcast_in_dim3A_75 = vector.broadcast %reduce_max3A_74 : f32 to vector<8x128xf32>
    %swap3A_76 = arith.constant 0 : index
    %swap3A_77 = arith.constant 0 : index
    %swap3A_78 = vector.load %arg11[%swap3A_76, %swap3A_77] : memref<8x128xf32, #tpu.memory_space<vmem>>, vector<8x128xf32>
    tpu.vector_store %arg11[%swap3A_76, %swap3A_77], %broadcast_in_dim3A_75 {strides = array<i32>} : memref<8x128xf32, #tpu.memory_space<vmem>>, vector<8x128xf32>,
    return
  }
}

module attributes {stable_mosaic.version = 14 : i64} {
  func.func @_tc1_body(%arg0: memref<10000x384xf32, #tpu.memory_space<vmem>>, %arg1: memref<384x384xf32, #tpu.memory_space<vmem>>, %arg2: memref<384x8xf32, #tpu.memory_space<vmem>>, %arg3: memref<10000xf32, #tpu.memory_space<vmem>>, %arg4: memref<10000xf32, #tpu.memory_space<vmem>>, %arg5: memref<10000xf32, #tpu.memory_space<vmem>>, %arg6: memref<8x128xf32, #tpu.memory_space<vmem>>) attributes {dimension_semantics = [], scalar_prefetch = 0 : i64, scratch_operands = 0 : i64, tpu.core_type = #tpu.core_type<tc>} {
    %get3A = arith.constant 0 : index
    %get3A_0 = arith.constant 0 : index
    %get3A_1 = vector.load %arg1[%get3A, %get3A_0] : memref<384x384xf32, #tpu.memory_space<vmem>>, vector<384x384xf32>
    %get3A_2 = arith.constant 0 : index
    %get3A_3 = arith.constant 0 : index
    %get3A_4 = vector.load %arg2[%get3A_2, %get3A_3] : memref<384x8xf32, #tpu.memory_space<vmem>>, vector<384x8xf32>
    %dot_general3A = arith.constant dense<0.000000e+00> : vector<384x8xf32>
    %dot_general3A_5 = tpu.matmul %get3A_1, %get3A_4, %dot_general3A {dimension_numbers = #tpu.dot_dimension_numbers<[1], [0], [0], [1], [0, 0, 1, 1], [], []>, transpose_lhs_hint = false} : vector<384x384xf32>, vector<384x8xf32>, vector<384x8xf32> -> vector<384x8xf32>
    %get3A_6 = arith.constant 0 : index
    %get3A_7 = arith.constant 0 : index
    %get3A_8 = vector.load %arg0[%get3A_6, %get3A_7] : memref<10000x384xf32, #tpu.memory_space<vmem>>, vector<10000x384xf32>
    %dot_general3A_9 = arith.constant dense<0.000000e+00> : vector<8x10000xf32>
    %dot_general3A_10 = tpu.matmul %dot_general3A_5, %get3A_8, %dot_general3A_9 {dimension_numbers = #tpu.dot_dimension_numbers<[0], [1], [1], [0], [0, 1, 1, 0], [], []>, transpose_lhs_hint = false} : vector<384x8xf32>, vector<10000x384xf32>, vector<8x10000xf32> -> vector<8x10000xf32>
    %slice3A = vector.extract_strided_slice %dot_general3A_10 {offsets = [0, 0], sizes = [1, 10000], strides = [1, 1]} : vector<8x10000xf32> to vector<1x10000xf32>
    %squeeze3A = vector.shape_cast %slice3A : vector<1x10000xf32> to vector<10000xf32>
    %swap3A = arith.constant 0 : index
    %swap3A_11 = vector.load %arg3[%swap3A] : memref<10000xf32, #tpu.memory_space<vmem>>, vector<10000xf32>
    tpu.vector_store %arg3[%swap3A], %squeeze3A {strides = array<i32>} : memref<10000xf32, #tpu.memory_space<vmem>>, vector<10000xf32>,
    %slice3A_12 = vector.extract_strided_slice %dot_general3A_10 {offsets = [1, 0], sizes = [1, 10000], strides = [1, 1]} : vector<8x10000xf32> to vector<1x10000xf32>
    %squeeze3A_13 = vector.shape_cast %slice3A_12 : vector<1x10000xf32> to vector<10000xf32>
    %swap3A_14 = arith.constant 0 : index
    %swap3A_15 = vector.load %arg4[%swap3A_14] : memref<10000xf32, #tpu.memory_space<vmem>>, vector<10000xf32>
    tpu.vector_store %arg4[%swap3A_14], %squeeze3A_13 {strides = array<i32>} : memref<10000xf32, #tpu.memory_space<vmem>>, vector<10000xf32>,
    %slice3A_16 = vector.extract_strided_slice %dot_general3A_10 {offsets = [2, 0], sizes = [1, 10000], strides = [1, 1]} : vector<8x10000xf32> to vector<1x10000xf32>
    %squeeze3A_17 = vector.shape_cast %slice3A_16 : vector<1x10000xf32> to vector<10000xf32>
    %swap3A_18 = arith.constant 0 : index
    %swap3A_19 = vector.load %arg5[%swap3A_18] : memref<10000xf32, #tpu.memory_space<vmem>>, vector<10000xf32>
    tpu.vector_store %arg5[%swap3A_18], %squeeze3A_17 {strides = array<i32>} : memref<10000xf32, #tpu.memory_space<vmem>>, vector<10000xf32>,
    %reduce_max3A = arith.constant dense<0xFF800000> : vector<8xf32>
    %reduce_max3A_20 = vector.multi_reduction <maximumf>, %dot_general3A_10, %reduce_max3A [1] : vector<8x10000xf32> to vector<8xf32>
    %reshape3A = vector.shape_cast %reduce_max3A_20 : vector<8xf32> to vector<8x1xf32>
    %broadcast_in_dim3A = vector.shape_cast %reshape3A : vector<8x1xf32> to vector<8x1xf32>
    %broadcast_in_dim3A_21 = vector.broadcast %broadcast_in_dim3A : vector<8x1xf32> to vector<8x128xf32>
    %swap3A_22 = arith.constant 0 : index
    %swap3A_23 = arith.constant 0 : index
    %swap3A_24 = vector.load %arg6[%swap3A_22, %swap3A_23] : memref<8x128xf32, #tpu.memory_space<vmem>>, vector<8x128xf32>
    tpu.vector_store %arg6[%swap3A_22, %swap3A_23], %broadcast_in_dim3A_21 {strides = array<i32>} : memref<8x128xf32, #tpu.memory_space<vmem>>, vector<8x128xf32>,
    return
  }
}

module attributes {stable_mosaic.version = 14 : i64} {
  func.func @_tc3_body(%arg0: memref<32x10000xf32, #tpu.memory_space<vmem>>, %arg1: memref<32x10000xf32, #tpu.memory_space<vmem>>, %arg2: memref<3x128xf32, #tpu.memory_space<vmem>>, %arg3: memref<3x128xf32, #tpu.memory_space<vmem>>, %arg4: memref<1x1xf32, #tpu.memory_space<vmem>>, %arg5: memref<1x10000xf32, #tpu.memory_space<vmem>>) attributes {dimension_semantics = [], scalar_prefetch = 0 : i64, scratch_operands = 0 : i64, tpu.core_type = #tpu.core_type<tc>} {
    %get3A = arith.constant 0 : index
    %get3A_0 = arith.constant 0 : index
    %get3A_1 = vector.load %arg0[%get3A, %get3A_0] : memref<32x10000xf32, #tpu.memory_space<vmem>>, vector<32x10000xf32>
    %reduce_sum3A = arith.constant dense<0.000000e+00> : vector<10000xf32>
    %reduce_sum3A_2 = vector.multi_reduction <add>, %get3A_1, %reduce_sum3A [0] : vector<32x10000xf32> to vector<10000xf32>
    %broadcast_in_dim3A = vector.shape_cast %reduce_sum3A_2 : vector<10000xf32> to vector<1x10000xf32>
    %get3A_3 = arith.constant 0 : index
    %get3A_4 = arith.constant 0 : index
    %get3A_5 = vector.load %arg1[%get3A_3, %get3A_4] : memref<32x10000xf32, #tpu.memory_space<vmem>>, vector<32x10000xf32>
    %reduce_sum3A_6 = arith.constant dense<0.000000e+00> : vector<10000xf32>
    %reduce_sum3A_7 = vector.multi_reduction <add>, %get3A_5, %reduce_sum3A_6 [0] : vector<32x10000xf32> to vector<10000xf32>
    %broadcast_in_dim3A_8 = vector.shape_cast %reduce_sum3A_7 : vector<10000xf32> to vector<1x10000xf32>
    %get3A_9 = arith.constant 0 : index
    %get3A_10 = arith.constant 0 : index
    %get3A_11 = vector.load %arg2[%get3A_9, %get3A_10] : memref<3x128xf32, #tpu.memory_space<vmem>>, vector<3x128xf32>
    %get3A_12 = arith.constant 0 : index
    %get3A_13 = arith.constant 0 : index
    %get3A_14 = vector.load %arg3[%get3A_12, %get3A_13] : memref<3x128xf32, #tpu.memory_space<vmem>>, vector<3x128xf32>
    %mul3A = arith.mulf %get3A_11, %get3A_14 : vector<3x128xf32>
    %reduce_sum3A_15 = vector.shape_cast %mul3A : vector<3x128xf32> to vector<1x3x128xf32>
    %reduce_sum3A_16 = arith.constant dense<0.000000e+00> : vector<1xf32>
    %reduce_sum3A_17 = vector.multi_reduction <add>, %reduce_sum3A_15, %reduce_sum3A_16 [1, 2] : vector<1x3x128xf32> to vector<1xf32>
    %reduce_sum3A_18 = vector.shape_cast %reduce_sum3A_17 : vector<1xf32> to vector<1x1x1xf32>
    %reduce_sum3A_19 = vector.extract %reduce_sum3A_18[0, 0, 0] : f32 from vector<1x1x1xf32>
    %get3A_20 = arith.constant 0 : index
    %get3A_21 = arith.constant 0 : index
    %get3A_22 = vector.load %arg4[%get3A_20, %get3A_21] : memref<1x1xf32, #tpu.memory_space<vmem>>, vector<1x1xf32>
    %get3A_23 = vector.extract %get3A_22[0, 0] : f32 from vector<1x1xf32>
    %add3A = arith.addf %reduce_sum3A_19, %get3A_23 : f32
    %gt3A = arith.constant 0.000000e+00 : f32
    %gt3A_24 = vector.broadcast %gt3A : f32 to vector<1x10000xf32>
    %gt3A_25 = arith.cmpf ogt, %broadcast_in_dim3A_8, %gt3A_24 : vector<1x10000xf32>
    %div3A = arith.divf %broadcast_in_dim3A, %broadcast_in_dim3A_8 : vector<1x10000xf32>
    %jit3A = arith.constant 0.000000e+00 : f32
    %broadcast_in_dim3A_26 = vector.broadcast %jit3A : f32 to vector<1x10000xf32>
    %select_n3A = arith.select %gt3A_25, %div3A, %broadcast_in_dim3A_26 : vector<1x10000xi1>, vector<1x10000xf32>
    %add3A_27 = vector.broadcast %add3A : f32 to vector<1x10000xf32>
    %add3A_28 = arith.addf %select_n3A, %add3A_27 : vector<1x10000xf32>
    %max3A = arith.constant 0.000000e+00 : f32
    %max3A_29 = vector.broadcast %max3A : f32 to vector<1x10000xf32>
    %max3A_30 = arith.maximumf %add3A_28, %max3A_29 : vector<1x10000xf32>
    %swap3A = arith.constant 0 : index
    %swap3A_31 = arith.constant 0 : index
    %swap3A_32 = vector.load %arg5[%swap3A, %swap3A_31] : memref<1x10000xf32, #tpu.memory_space<vmem>>, vector<1x10000xf32>
    tpu.vector_store %arg5[%swap3A, %swap3A_31], %max3A_30 {strides = array<i32>} : memref<1x10000xf32, #tpu.memory_space<vmem>>, vector<1x10000xf32>,
    return
  }
}

</mosaic_0001>

<sc_bundles>
// kernel: kernel.6.cloned.1.call-start
scs
__scs_entry_jumppad:
0x0: {  	(pc) =	sbr.rel $0x88, $3  }
0x1: {  	(tag) =	ssettag $0x0;
	lr =	simm.s32 $0x1  }
0x2: {  	[smem:$0x3F96] =	sst lr;
	_ =	strace $0xD0000000  }
0x3: {  	_ = 	snop  }
0x4: {  	_ = 	snop  }
0x5: {  	_ = 	snop  }
0x6: {  	_ = 	snop  }
0x7: {  	_ = 	snop  }
__scs_overlays_trampoline_lowered:
0x8: {  	[smem:$0x3FA5] =	sst s0  }
0x9: {  	[smem:$0x3FA6] =	sst s1  }
0xa: {  	[smem:$0x3FA7] =	sst s2  }
0xb: {  	[smem:$0x3FA8] =	sst s3  }
0xc: {  	[smem:$0x3FA9] =	sst s4  }
0xd: {  	[smem:$0x3FAA] =	sst s5  }
0xe: {  	[smem:$0x3FAB] =	sst s6  }
0xf: {  	[smem:$0x3FAC] =	sst s7  }
0x10: {  	[smem:$0x3FAD] =	sst s8  }
0x11: {  	[smem:$0x3FAE] =	sst s9;
	s0 =	simm.s32 @!p0 $0x0  }
0x12: {  	s1 =	sld [smem:$0x3F94];
	s0 =	simm.s32 @p0 $0x1  }
0x13: {  	[smem:$0x3FAF] =	sst s0;
	s0 =	simm.s32 @!p1 $0x0  }
0x14: {  	s2 =	sld [smem:$0x3F93];
	s0 =	simm.s32 @p1 $0x1  }
0x15: {  	[smem:$0x3FB0] =	sst s0;
	s0 =	simm.s32 @!p2 $0x0  }
0x16: {  	s3 =	sld [smem:$0x3FDB];
	s0 =	simm.s32 @p2 $0x1  }
0x17: {  	s4 =	simm.s32 $0x1BF5;
	[smem:$0x3FB2] =	sst s0  }
0x18: {  	s0 =	sld [smem:$0x3F95];
	_ =	swait.ge [sflag:s4], $0x0  }
0x19: {  	s7 =	sld [smem:$0x3F96]  }
0x1a: {  	s8 =	sadd.s32 $0xFFFFE003, lr  }
0x1b: {  	s9 =	sadd.s32 $0xFFFFFEF7, lr;
	s5 =	simm.s32 $0xFFFFFFFF;
	p2 =	slt.u32 s8, $0xFFFFF086  }
0x1c: {  	p1 =	slt.u32 s9, $0xF7A;
	s5 =	simm.s32 @!p2 $0x0  }
0x1d: {  	s5 =	simm.s32 @p1 $0x1;
	p0 =	seq.s32 s7, s2  }
0x1e: {  	s7 =	smul.u32 @!p0 $0xF7A, s2;
	p2 =	seq.s32 @!p0 s5, $0x0  }
0x1f: {  	s9 =	smul.u32 $0xF7A, s1;
	s8 =	simm.s32 @!p0 $0x1BF5;
	p2 =	por !p2, p0  }
0x20: {  	[sflag:s8] =	ssyncset.s32 @!p0 $0xFFFFF086;
	s6 =	sadd.s32 @!p0 s3, s7;
	s7 =	simm.s32 @!p0 $0x108  }
0x21: {  	s3 =	sadd.s32 s3, s9;
	s6 =	sadd.s32 @!p0 $0x88, s6;
	s7 =	simm.s32 @p2 $0x1082  }
0x22: {  	[simem:s7], [sflag:s8] =	dma.local @!p0 [hbm:s6], $0xF7A  }
0x23: {  	s9 =	sor.u32 $0xD0000000, s2;
	s6 =	simm.s32 $0x108;
	_ =	swait.ge @!p0 [sflag:s8], $0x0  }
0x24: {  	s3 =	sadd.s32 $0x88, s3;
	s6 =	simm.s32 @!p1 $0x1082;
	[sflag:s4] =	ssyncset.s32 $0xFFFFF086  }
0x25: {  	[simem:s6], [sflag:s4] =	dma.local [hbm:s3], $0xF7A  }
0x26: {  	[smem:$0x3F96] =	sst s1;
	(tag) =	ssettag s2;
	_ =	strace s9  }
0x27: {  	s1 =	sld [smem:$0x3FA6]  }
0x28: {  	s2 =	sld [smem:$0x3FA7]  }
0x29: {  	s4 =	sld [smem:$0x3FA9]  }
0x2a: {  	p0 =	seq.s32 s5, $0x0;
	s5 =	sld [smem:$0x3FAA]  }
0x2b: {  	s6 =	sld [smem:$0x3FAB]  }
0x2c: {  	s7 =	sld [smem:$0x3FAC]  }
0x2d: {  	s3 =	simm.s32 $0x108;
	s8 =	sld [smem:$0x3FAD]  }
0x2e: {  	s3 =	simm.s32 @!p0 $0x1082;
	s9 =	sld [smem:$0x3FAE]  }
0x2f: {  	lr =	sadd.s32 s0, s3;
	s0 =	sld [smem:$0x3FA5]  }
0x30: {  	s3 =	sld [smem:$0x3FA8]  }
0x31: {  	[smem:$0x3FB1] =	sst s10  }
0x32: {  	s10 =	sld [smem:$0x3FAF];
	_ =	sdelay $0x3  }
0x33: {  	p0 =	seq.s32 s10, $0x1;
	s10 =	sld [smem:$0x3FB1];
	_ =	sdelay $0x3  }
0x34: {  	[smem:$0x3FB1] =	sst s10  }
0x35: {  	s10 =	sld [smem:$0x3FB0];
	_ =	sdelay $0x3  }
0x36: {  	p1 =	seq.s32 s10, $0x1;
	s10 =	sld [smem:$0x3FB1];
	_ =	sdelay $0x3  }
0x37: {  	[smem:$0x3FB1] =	sst s10  }
0x38: {  	s10 =	sld [smem:$0x3FB2]  }
0x39: {  	_ = 	snop;
	(pc) =	sbr.ind lr, $3  }
0x3a: {  	_ = 	snop  }
0x3b: {  	_ = 	snop  }
0x3c: {  	p2 =	seq.s32 s10, $0x1;
	s10 =	sld [smem:$0x3FB1]  }
0x3d: {  	_ =	shalt  }
0x3e: {  	_ =	shalt  }
0x3f: {  	_ =	shalt  }
0x40: {  	_ =	shalt  }
0x41: {  	_ =	shalt  }
0x42: {  	_ =	shalt  }
0x43: {  	_ =	shalt  }
0x44: {  	_ =	shalt  }
0x45: {  	_ =	shalt  }
0x46: {  	_ =	shalt  }
0x47: {  	_ =	shalt  }
0x48: {  	_ =	shalt  }
0x49: {  	_ =	shalt  }
0x4a: {  	_ =	shalt  }
0x4b: {  	_ =	shalt  }
0x4c: {  	_ =	shalt  }
0x4d: {  	_ =	shalt  }
0x4e: {  	_ =	shalt  }
0x4f: {  	_ =	shalt  }
0x50: {  	_ =	shalt  }
0x51: {  	_ =	shalt  }
0x52: {  	_ =	shalt  }
0x53: {  	_ =	shalt  }
0x54: {  	_ =	shalt  }
0x55: {  	_ =	shalt  }
0x56: {  	_ =	shalt  }
0x57: {  	_ =	shalt  }
0x58: {  	_ =	shalt  }
0x59: {  	_ =	shalt  }
0x5a: {  	_ =	shalt  }
0x5b: {  	_ =	shalt  }
0x5c: {  	_ =	shalt  }
0x5d: {  	_ =	shalt  }
0x5e: {  	_ =	shalt  }
0x5f: {  	_ =	shalt  }
0x60: {  	_ =	shalt  }
0x61: {  	_ =	shalt  }
0x62: {  	_ =	shalt  }
0x63: {  	_ =	shalt  }
0x64: {  	_ =	shalt  }
0x65: {  	_ =	shalt  }
0x66: {  	_ =	shalt  }
0x67: {  	_ =	shalt  }
0x68: {  	_ =	shalt  }
0x69: {  	_ =	shalt  }
0x6a: {  	_ =	shalt  }
0x6b: {  	_ =	shalt  }
0x6c: {  	_ =	shalt  }
0x6d: {  	_ =	shalt  }
0x6e: {  	_ =	shalt  }
0x6f: {  	_ =	shalt  }
0x70: {  	_ =	shalt  }
0x71: {  	_ =	shalt  }
0x72: {  	_ =	shalt  }
0x73: {  	_ =	shalt  }
0x74: {  	_ =	shalt  }
0x75: {  	_ =	shalt  }
0x76: {  	_ =	shalt  }
0x77: {  	_ =	shalt  }
0x78: {  	_ =	shalt  }
0x79: {  	_ =	shalt  }
0x7a: {  	_ =	shalt  }
0x7b: {  	_ =	shalt  }
0x7c: {  	_ =	shalt  }
0x7d: {  	_ =	shalt  }
0x7e: {  	_ =	shalt  }
0x7f: {  	_ =	shalt  }
0x80: {  	_ =	shalt  }
0x81: {  	_ =	shalt  }
0x82: {  	_ =	shalt  }
0x83: {  	_ =	shalt  }
0x84: {  	_ =	shalt  }
0x85: {  	_ =	shalt  }
0x86: {  	_ =	shalt  }
0x87: {  	_ =	shalt  }
.Lfunc_end0:
.L_simem_size_0:
called_computation_lowered:
.L_overlay_start_0:
0x88: {  	s2 =	sld [smem:$0x3FD9]  }
0x89: {  	s3 =	sld [smem:$0x3FFE];
	_ =	sdelay $0x1  }
0x8a: {  	s1 =	srdreg.scid  }
0x8b: {  	s0 =	sand.u32 $0x1, s1  }
0x8c: {  	s16 =	sshll.u32 s0, $0xA;
	s2 =	sadd.s32 s3, s2  }
0x8d: {  	s2 =	sadd.s32 s2, s16  }
0x8e: {  	[smem:$0x3FBD] =	sst s2  }
0x8f: {  	_ = 	snop  }
0x90: {  	(tm) =	ssettm $0x1  }
0x91: {  	s17 =	sld [smem:$0x3FFB];
	_ =	sdelay $0x3  }
0x92: {  	_ =	strace s17  }
0x93: {  	s2 =	sld [smem:$0x3FFC];
	_ =	sdelay $0x3  }
0x94: {  	_ =	strace s2  }
0x95: {  	s2 =	sld [smem:$0x3FFD];
	_ =	sdelay $0x3  }
0x96: {  	_ =	strace s2  }
0x97: {  	_ =	strace $0x8FFFFFFF  }
0x98: {  	s18 =	sld [smem:$0x3FDB];
	_ =	sdelay $0x1  }
0x99: {  	s19 =	simm.s32 $_scs_section_size  }
0x9a: {  	s4 =	simm.s32 $_size__tile_overlayer_lowered;
	s5 =	simm.s32 $_tile_overlayer_lowered  }
0x9b: {  	s22 =	simm.s32 $0x1BFF;
	s21 =	sshll.u32 s5, $0x1;
	s2 =	sadd.s32 s19, s18  }
0x9c: {  	s6 =	simm.s32 $0x0;
	s20 =	sshll.u32 s4, $0x1;
	s4 =	sadd.s32 s21, s2  }
0x9d: {  	[timem:s6], [sflag:s22] =	dma.local [hbm:s4], s20  }
0x9e: {  	_ =	swait.ge [sflag:s22], s20  }
0x9f: {  	s3 =	ssub.s32 $0x0, s20;
	[sflag:s22] =	ssyncset.done $0x0  }
0xa0: {  	[sflag:s22] =	ssyncadd.s32 s3;
	_ =	sdelay $0x1  }
0xa1: {  	s23 =	simm.s32 $0x1B8B  }
0xa2: {  	_ =	swait.ge [sflag:s23], $0x1  }
0xa3: {  	[sflag:s23] =	ssyncset.done $0x0  }
0xa4: {  	s25 =	simm.s32 $0x1B8E;
	s24 =	sld [smem:$0x3FFE];
	[sflag:s23] =	ssyncadd.s32 $0xFFFFFFFF  }
0xa5: {  	s26 =	simm.s32 $execute0_lowered;
	[smem:$0x3FD2] =	sst s25  }
0xa6: {  	s4 =	sshll.u32 s26, $0x1;
	_ =	strace $0x80000046;
	[dreg:$0x1] =	wrdreg $0xFFFFFFFF  }
0xa7: {  	s28 =	simm.s32 $_size_execute0_lowered;
	s2 =	sadd.s32 s2, s4;
	[dreg:$0x0] =	wrdreg $0x0  }
0xa8: {  	s4 =	sshll.u32 s28, $0x1;
	[dreg:$0x2] =	wrdreg s2  }
0xa9: {  	[dreg:$0x3] =	wrdreg s4  }
0xaa: {  	[dreg:$0x4] =	wrdreg $0xC0  }
0xab: {  	_ =	task [dreg:s6], $0x5FFFF  }
0xac: {  	[dreg:$0x1] =	wrdreg $0xFFFFFFFF  }
0xad: {  	[dreg:$0x0] =	wrdreg $0x60  }
0xae: {  	[dreg:$0x2] =	wrdreg s24  }
0xaf: {  	[dreg:$0x3] =	wrdreg $0x9  }
0xb0: {  	_ =	task.clear_ibuf [dreg:s6], $0x4FFFF;
	_ =	strace $0x90000046  }
0xb1: {  	s29 =	simm.s32 $0x9;
	_ =	strace $0x80000048  }
0xb2: {  	_ =	swait.ge [sflag:s29], $0x1  }
0xb3: {  	[sflag:s29] =	ssyncadd.s32 $0xFFFFFFFF  }
0xb4: {  	_ =	strace $0x90000048  }
0xb5: {  	_ =	sfence  }
0xb6: {  	s30 =	sld [smem:$0x0];
	_ =	sdelay $0x2  }
0xb7: {  	s31 =	sshll.u32 s1, $0xD;
	s1 =	sshrl.u32 s1, $0x2  }
0xb8: {  	s3 =	sand.u32 $0x4000, s31;
	s1 =	sadd.s32 s1, s30  }
0xb9: {  	s0 =	sor.u32 s3, s0;
	s1 =	sshll.u32 s1, $0x11  }
0xba: {  	s0 =	sor.u32 s1, s0  }
0xbb: {  	s0 =	sadd.s32 $0x8F2B, s0  }
0xbc: {  	[sflag:s0] =	ssyncadd.remote.s32 $0x1  }
0xbd: {  	_ =	sfence.sel $0xFFFF  }
0xbe: {  	[dreg:$0x0] =	wrdreg $0xFFFFFFFF;
	(pc) =	sbr.abs _section_cstart, $3  }
0xbf: {  	[dreg:$0x1] =	wrdreg $0xFFFFFFFF  }
0xc0: {  	_ =	task.clear_ibuf [dreg:s6], $0x2FFFF;
	_ =	strace $0x9FFFFFFF  }
0xc1: {  	(tm) =	ssettm $0x7FFFFFFF  }
tec
execute0_lowered:
.L_overlay_start_1:
0x0: {  	(tag) =	ssettag $0x1  }
0x1: {  	s0 =	srdreg.scid  }
0x2: {  	s8 =	stileid.u32;
	s1 =	rddreg [dreg:$0x0];
	s2 =	simm.s32 $0x0  }
0x3: {  	v0 =	vimm.s32 $0x1149;
	vm0 =	vcmask $0x300;
	v1 =	vimm.s32 $0x13B9;
	s20 =	simm.s32 $0x2780;
	s21 =	simm.s32 $0x4F00;
	s22 =	simm.s32 $0x1  }
0x4: {  	vm1 =	vcmask $0x704;
	s23 =	simm.s32 $0xDA80;
	s29 =	simm.s32 $0x2;
	s30 =	simm.s32 $0x0;
	v0 =	vsel vm0, $0x0, v0;
	v1 =	vsel vm0, $0x270, v1  }
0x5: {  	vm15 =	vcmask $0xB08;
	s0 =	sand.u32 $0x1, s0;
	s3 =	sshll.u32 s8, $0x1;
	[smem:$0x7FF] =	sst s2;
	v0 =	vsel vm1, $0x278, v0;
	v1 =	vsel vm1, $0x4E8, v1  }
0x6: {  	vm4 =	vcmask $0xF0C;
	s24 =	sadd.s32 $0x9600, s1;
	s4 =	sadd.s32 $0x9C00, s1;
	s8 =	sshrl.u32 s8, $0x2;
	v0 =	vsel vm15, $0x4F0, v0;
	v1 =	vsel vm15, $0x760, v1  }
0x7: {  	vm5 =	vcmask $0x1310;
	s6 =	sor.u32 s0, s3;
	_ =	strace $0x80000047;
	s25 =	smul.u32 $0x13C00, s8;
	v0 =	vsel vm4, $0x768, v0;
	v1 =	vsel vm4, $0x9D8, v1  }
0x8: {  	vm6 =	vcmask $0x1714;
	[dreg:$0x2] =	wrdreg s24;
	s0 =	ssub.s32 $0x2, s0;
	s5 =	smul.u32 $0x1388, s6;
	v0 =	vsel vm5, $0x9E0, v0;
	v1 =	vsel vm5, $0xC50, v1  }
0x9: {  	vm7 =	vcmask $0x1B18;
	s24 =	simm.s32 $0xB300;
	s6 =	sshll.u32 s6, $0x7;
	s31 =	sshrl.u32 s0, $0x1;
	v0 =	vsel vm6, $0xC58, v0;
	v1 =	vsel vm6, $0xEC8, v1  }
0xa: {  	vm8 =	vcmask $0x1F1C;
	s6 =	sand.u32 $0x380, s6;
	s0 =	ssub.s32 s0, s31;
	s17 =	sshrl.u32 s5, $0x3;
	v0 =	vsel vm7, $0xED0, v0;
	v1 =	vsel vm7, $0x1140, v1  }
0xb: {  	vm9 =	vcmask $0x2320;
	s5 =	sadd.s32 $0xA200, s1;
	s19 =	smax.u32 s0, $0x1;
	s7 =	sand.u32 $0x7FF8, s17;
	v0 =	vsel vm8, $0x1148, v0;
	v1 =	vsel vm8, $0x13B8, v1  }
0xc: {  	vm10 =	vcmask $0x2724;
	s26 =	sadd.s32 s17, s1;
	s18 =	smin.u32 s7, $0x4BA8;
	s7 =	sor.u32 s25, s6;
	v0 =	vsel vm9, $0x1, v0;
	v1 =	vsel vm9, $0x271, v1  }
0xd: {  	vm11 =	vcmask $0x2B28;
	s6 =	sadd.s32 $0x9400, s1;
	s8 =	sadd.s32 $0xF820, s26;
	s25 =	simm.s32 $0x9E80;
	v0 =	vsel vm10, $0x279, v0;
	v1 =	vsel vm10, $0x4E9, v1  }
0xe: {  	vm12 =	vcmask $0x2F2C;
	s9 =	sshrl.u32 s18, $0x3;
	s7 =	sshrl.u32 s7, $0x3;
	s28 =	ssub.s32 s17, s18;
	v0 =	vsel vm11, $0x4F1, v0;
	v1 =	vsel vm11, $0x761, v1  }
0xf: {  	vm13 =	vcmask $0x3330;
	s16 =	sadd.s32 s9, s1;
	s1 =	sadd.s32 s7, s1;
	s7 =	sadd.s32 $0xAA00, s26;
	v0 =	vsel vm12, $0x769, v0;
	v1 =	vsel vm12, $0x9D9, v1  }
0x10: {  	vm14 =	vcmask $0x3734;
	s26 =	simm.s32 $0x80;
	s9 =	sadd.s32 $0x4400, s16;
	s10 =	sadd.s32 $0x4E00, s16;
	v0 =	vsel vm13, $0x9E1, v0;
	v1 =	vsel vm13, $0xC51, v1  }
0x11: {  	vm15 =	vcmask $0x3B38;
	s11 =	sadd.s32 $0x5800, s16;
	s12 =	sadd.s32 $0x6200, s16;
	s13 =	sadd.s32 $0x6C00, s16;
	v0 =	vsel vm14, $0xC59, v0;
	v1 =	vsel vm14, $0xEC9, v1  }
0x12: {  	s14 =	sadd.s32 $0x7600, s16;
	s15 =	sadd.s32 $0x8000, s16;
	s16 =	sadd.s32 $0x8A00, s16;
	v0 =	vsel vm15, $0xED1, v0;
	v1 =	vsel vm15, $0x1141, v1  }
0x13: {  	v2 =	vimm.f32 $0.0e+00;
	s17 =	sadd.s32 $0x14800, s1;
	s18 =	sadd.s32 $0x1E600, s1;
	v0 =	vadd.s32 s28, v0;
	v1 =	vadd.s32 s28, v1;
	s28 =	simm.s32 $0x400  }
.LBB2_1:
0x14: {  	s0 =	rddreg [dreg:$0x2]  }
0x15: {  	[tilespmem:s2], [sflag:$0x1] =	stream.linear.gather [hbm4b:s0+s2], $0x2780, $0x38;
	[tilespmem:$0x10200] =	vst v63  }
0x16: {  	_ = 	snop  }
0x17: {  	[tilespmem:s20], [sflag:$0x1] =	stream.linear.gather [hbm4b:s4+s2], $0x2780, $0x38;
	[tilespmem:$0x10200] =	vst v63  }
0x18: {  	_ = 	snop  }
0x19: {  	[tilespmem:s21], [sflag:$0x1] =	stream.linear.gather [hbm4b:s5+s2], $0x2780, $0x38;
	[tilespmem:$0x10200] =	vst v63  }
0x1a: {  	s31 =	simm.s32 $0x7680  }
0x1b: {  	[tilespmem:s31], [sflag:$0x1] =	stream.linear.gather [hbm4b:s7+s2], $0x1388, $0x38;
	[tilespmem:$0x10200] =	vst v63  }
0x1c: {  	s1 =	simm.s32 $0x8A80  }
0x1d: {  	[tilespmem:s1], [sflag:$0x1] =	stream.linear.gather [hbm4b:s8+s2], $0x1388, $0x38;
	[tilespmem:$0x10200] =	vst v63  }
0x1e: {  	s3 =	simm.s32 $0xB280  }
0x1f: {  	[tilespmem:s3], [sflag:$0x1] =	stream.linear.gather [hbm4b:s6+s2], $0x80, $0x38;
	[tilespmem:$0x10200] =	vst v63  }
0x20: {  	_ = 	snop  }
0x21: {  	[tilespmem:s25], [sflag:$0x1] =	stream.linear.gather [hbm4b:s9+s2], $0x278, $0x38;
	[tilespmem:$0x10200] =	vst v63  }
0x22: {  	s31 =	simm.s32 $0xA0F8  }
0x23: {  	[tilespmem:s31], [sflag:$0x1] =	stream.linear.gather [hbm4b:s10+s2], $0x278, $0x38;
	[tilespmem:$0x10200] =	vst v63  }
0x24: {  	s1 =	simm.s32 $0xA370  }
0x25: {  	[tilespmem:s1], [sflag:$0x1] =	stream.linear.gather [hbm4b:s11+s2], $0x278, $0x38;
	[tilespmem:$0x10200] =	vst v63  }
0x26: {  	s3 =	simm.s32 $0xA5E8  }
0x27: {  	[tilespmem:s3], [sflag:$0x1] =	stream.linear.gather [hbm4b:s12+s2], $0x278, $0x38;
	[tilespmem:$0x10200] =	vst v63  }
0x28: {  	s31 =	simm.s32 $0xA860  }
0x29: {  	[tilespmem:s31], [sflag:$0x1] =	stream.linear.gather [hbm4b:s13+s2], $0x278, $0x38;
	[tilespmem:$0x10200] =	vst v63  }
0x2a: {  	s1 =	simm.s32 $0xAAD8  }
0x2b: {  	[tilespmem:s1], [sflag:$0x1] =	stream.linear.gather [hbm4b:s14+s2], $0x278, $0x38;
	[tilespmem:$0x10200] =	vst v63  }
0x2c: {  	s3 =	simm.s32 $0xAD50  }
0x2d: {  	[tilespmem:s3], [sflag:$0x1] =	stream.linear.gather [hbm4b:s15+s2], $0x278, $0x38;
	[tilespmem:$0x10200] =	vst v63  }
0x2e: {  	s0 =	simm.s32 $0x0;
	s31 =	simm.s32 $0xAFC8;
	s1 =	simm.s32 $0x100  }
0x2f: {  	[tilespmem:s31], [sflag:$0x1] =	stream.linear.gather [hbm4b:s16+s2], $0x278, $0x38;
	[tilespmem:$0x10200] =	vst v63  }
.LBB2_2:
0x30: {  	p0 =	sne.s32 s1, $0x9B00;
	[tilespmem:s0+$0xDAB0] =	vst v2  }
0x31: {  	[tilespmem:s0+$0xB300] =	vst v2  }
0x32: {  	[tilespmem:s0+$0xDA80] =	vst v2  }
.Ltmp0:
0x33: {  	[tilespmem:s0+$0xB310] =	vst v2;
	(pc) =	sbr.rel @p0 .LBB2_2-.Ltmp0, $4  }
0x34: {  	[tilespmem:s0+$0xDA90] =	vst v2  }
0x35: {  	[tilespmem:s0+$0xB320] =	vst v2  }
0x36: {  	[tilespmem:s0+$0xDAA0] =	vst v2  }
0x37: {  	[tilespmem:s0+$0xB330] =	vst v2;
	s0 =	sshra.s32 s1, $0x2;
	s1 =	sadd.s32 $0x100, s1  }
0x38: {  	[tilespmem:s0+$0xDAB0] =	vst v2  }
0x39: {  	[tilespmem:s0+$0xB300] =	vst v2  }
0x3a: {  	[tilespmem:s0+$0xDA80] =	vst v2  }
0x3b: {  	[tilespmem:s0+$0xB310] =	vst v2  }
0x3c: {  	[tilespmem:s0+$0xDA90] =	vst v2  }
0x3d: {  	[tilespmem:s0+$0xB320] =	vst v2  }
0x3e: {  	[tilespmem:s0+$0xDAA0] =	vst v2  }
0x3f: {  	[tilespmem:s0+$0xB330] =	vst v2  }
0x40: {  	[tilespmem:$0xDA00] =	vst v2  }
0x41: {  	[tilespmem:$0x10180] =	vst v2  }
0x42: {  	_ =	swait.ge [sflag:s22], $0x2780  }
0x43: {  	[sflag:s22] =	ssyncset.done $0x0  }
0x44: {  	[sflag:s22] =	ssyncadd.s32 $0xFFFFD880  }
0x45: {  	_ =	swait.ge [sflag:s22], $0x2780  }
0x46: {  	[sflag:s22] =	ssyncset.done $0x0  }
0x47: {  	[sflag:s22] =	ssyncadd.s32 $0xFFFFD880  }
0x48: {  	_ =	swait.ge [sflag:s22], $0x2780  }
0x49: {  	[sflag:s22] =	ssyncset.done $0x0  }
0x4a: {  	[sflag:s22] =	ssyncadd.s32 $0xFFFFD880  }
0x4b: {  	_ =	swait.ge [sflag:s22], $0x1388  }
0x4c: {  	[sflag:s22] =	ssyncset.done $0x0  }
0x4d: {  	[sflag:s22] =	ssyncadd.s32 $0xFFFFEC78  }
0x4e: {  	_ =	swait.ge [sflag:s22], $0x1388  }
0x4f: {  	[sflag:s22] =	ssyncset.done $0x0  }
0x50: {  	[sflag:s22] =	ssyncadd.s32 $0xFFFFEC78  }
0x51: {  	_ =	swait.ge [sflag:s22], $0x80  }
0x52: {  	[sflag:s22] =	ssyncset.done $0x0  }
0x53: {  	[sflag:s22] =	ssyncadd.s32 $0xFFFFFF80  }
0x54: {  	_ =	swait.ge [sflag:s22], $0x278  }
0x55: {  	[sflag:s22] =	ssyncset.done $0x0  }
0x56: {  	[sflag:s22] =	ssyncadd.s32 $0xFFFFFD88  }
0x57: {  	_ =	swait.ge [sflag:s22], $0x278  }
0x58: {  	[sflag:s22] =	ssyncset.done $0x0  }
0x59: {  	[sflag:s22] =	ssyncadd.s32 $0xFFFFFD88  }
0x5a: {  	_ =	swait.ge [sflag:s22], $0x278  }
0x5b: {  	[sflag:s22] =	ssyncset.done $0x0  }
0x5c: {  	[sflag:s22] =	ssyncadd.s32 $0xFFFFFD88  }
0x5d: {  	_ =	swait.ge [sflag:s22], $0x278  }
0x5e: {  	[sflag:s22] =	ssyncset.done $0x0  }
0x5f: {  	[sflag:s22] =	ssyncadd.s32 $0xFFFFFD88  }
0x60: {  	_ =	swait.ge [sflag:s22], $0x278  }
0x61: {  	[sflag:s22] =	ssyncset.done $0x0  }
0x62: {  	[sflag:s22] =	ssyncadd.s32 $0xFFFFFD88  }
0x63: {  	_ =	swait.ge [sflag:s22], $0x278  }
0x64: {  	[sflag:s22] =	ssyncset.done $0x0  }
0x65: {  	[sflag:s22] =	ssyncadd.s32 $0xFFFFFD88  }
0x66: {  	_ =	swait.ge [sflag:s22], $0x278  }
0x67: {  	[sflag:s22] =	ssyncset.done $0x0  }
0x68: {  	[sflag:s22] =	ssyncadd.s32 $0xFFFFFD88  }
0x69: {  	_ =	swait.ge [sflag:s22], $0x278  }
0x6a: {  	[sflag:s22] =	ssyncset.done $0x0  }
0x6b: {  	[sflag:s22] =	ssyncadd.s32 $0xFFFFFD88  }
0x6c: {  	s31 =	simm.s32 $0x2;
	s1 =	simm.s32 $0x7690;
	s0 =	simm.s32 $0x8A90;
	v3 =	vld [tilespmem:$0xB280]  }
.LBB2_4:
0x6d: {  	v4 =	vld [tilespmem:s1+$0xFFFFFFF0]  }
0x6e: {  	v5 =	vld [tilespmem:s0+$0xFFFFFFF0];
	_ =	sdelay $0x3  }
0x6f: {  	s3 =	sadd.s32 $0xFFFFFFFE, s31  }
0x70: {  	v6 =	vadd.s32 s3, v0;
	_ =	sdelay $0x1  }
0x71: {  	v7 =	vld.idx.msk [tilespmem:v4+s2+$0x0], $0xffff  }
0x72: {  	v8 =	vld.idx.msk [tilespmem:v5+s20+$0x0], $0xffff;
	_ =	sdelay $0x1  }
0x73: {  	v6 =	vld.idx.msk [tilespmem:v6+s25+$0x0], $0xffff;
	_ =	sdelay $0x2  }
0x74: {  	v7 =	vadd.f32 v8, v7;
	_ =	sdelay $0x1  }
0x75: {  	v6 =	vadd.f32 v7, v6;
	_ =	sdelay $0x1  }
0x76: {  	v7 =	vmul.f32 $2.000000030e-01, v6  }
0x77: {  	vm0 =	vge.f32 v6, $0.0e+00  }
0x78: {  	v6 =	vsel vm0, v6, v7  }
0x79: {  	v6 =	vsub.f32 v6, v3;
	_ =	sdelay $0x1  }
0x7a: {  	v6 =	vmul.f32 $1.442695020e+00, v6;
	_ =	sdelay $0x1  }
0x7b: {  	(erf) = vpow2.f32 v6;
	_ =	sdelay $0x4  }
0x7c: {  	v4 =	vld.idx.msk [tilespmem:v4+s21+$0x0], $0xffff;
	_ =	sdelay $0x3  }
0x7d: {  	v6 =	vpop (erf)  }
0x7e: {  	v4 =	vmul.f32 v6, v4  }
0x7f: {  	[tilespmem:v5+s23+$0x0] =	vst.idx.add.f32.msk $0xffff, v6  }
0x80: {  	[tilespmem:v5+s24+$0x0] =	vst.idx.add.f32.msk $0xffff, v4  }
0x81: {  	v4 =	vld [tilespmem:s1+$0x0]  }
0x82: {  	v5 =	vld [tilespmem:s0+$0x0];
	_ =	sdelay $0x4  }
0x83: {  	v61 =	vadd.s32 s31, v0;
	_ =	sdelay $0x1  }
0x84: {  	v62 =	vld.idx.msk [tilespmem:v4+s2+$0x0], $0xffff  }
0x85: {  	v63 =	vld.idx.msk [tilespmem:v5+s20+$0x0], $0xffff;
	_ =	sdelay $0x1  }
0x86: {  	v6 =	vld.idx.msk [tilespmem:v61+s25+$0x0], $0xffff;
	_ =	sdelay $0x2  }
0x87: {  	v7 =	vadd.f32 v63, v62;
	_ =	sdelay $0x1  }
0x88: {  	v6 =	vadd.f32 v7, v6;
	_ =	sdelay $0x1  }
0x89: {  	v7 =	vmul.f32 $2.000000030e-01, v6  }
0x8a: {  	vm15 =	vge.f32 v6, $0.0e+00  }
0x8b: {  	v6 =	vsel vm15, v6, v7  }
0x8c: {  	v6 =	vsub.f32 v6, v3;
	_ =	sdelay $0x1  }
0x8d: {  	v6 =	vmul.f32 $1.442695020e+00, v6;
	_ =	sdelay $0x1  }
0x8e: {  	(erf) = vpow2.f32 v6;
	_ =	sdelay $0x4  }
0x8f: {  	v4 =	vld.idx.msk [tilespmem:v4+s21+$0x0], $0xffff;
	_ =	sdelay $0x1  }
0x90: {  	p0 =	sne.s32 s31, $0x26E  }
.Ltmp1:
0x91: {  	_ = 	snop;
	(pc) =	sbr.rel @p0 .LBB2_4-.Ltmp1, $4  }
0x92: {  	v6 =	vpop (erf)  }
0x93: {  	v4 =	vmul.f32 v6, v4  }
0x94: {  	[tilespmem:v5+s23+$0x0] =	vst.idx.add.f32.msk $0xffff, v6  }
0x95: {  	s31 =	sadd.s32 $0x4, s31;
	s1 =	sadd.s32 $0x20, s1;
	s0 =	sadd.s32 $0x20, s0;
	[tilespmem:v5+s24+$0x0] =	vst.idx.add.f32.msk $0xffff, v4  }
0x96: {  	v4 =	vld [tilespmem:$0x8A00]  }
0x97: {  	v5 =	vld [tilespmem:$0x9E00];
	_ =	sdelay $0x6  }
0x98: {  	v6 =	vld.idx.msk [tilespmem:v4+s2+$0x0], $0xff  }
0x99: {  	v7 =	vld.idx.msk [tilespmem:v5+s20+$0x0], $0xff;
	_ =	sdelay $0x1  }
0x9a: {  	v8 =	vld.idx.msk [tilespmem:v1+s25+$0x0], $0xff;
	_ =	sdelay $0x2  }
0x9b: {  	v6 =	vadd.f32 v7, v6;
	_ =	sdelay $0x1  }
0x9c: {  	v6 =	vadd.f32 v6, v8;
	_ =	sdelay $0x1  }
0x9d: {  	v62 =	vmul.f32 $2.000000030e-01, v6  }
0x9e: {  	vm0 =	vge.f32 v6, $0.0e+00  }
0x9f: {  	v6 =	vsel vm0, v6, v62  }
0xa0: {  	v3 =	vsub.f32 v6, v3;
	_ =	sdelay $0x1  }
0xa1: {  	v3 =	vmul.f32 $1.442695020e+00, v3;
	_ =	sdelay $0x1  }
0xa2: {  	(erf) = vpow2.f32 v3;
	_ =	sdelay $0x4  }
0xa3: {  	v3 =	vld.idx.msk [tilespmem:v4+s21+$0x0], $0xff;
	_ =	sdelay $0x3  }
0xa4: {  	v63 =	vpop (erf)  }
0xa5: {  	v3 =	vmul.f32 v63, v3  }
0xa6: {  	[tilespmem:v5+s23+$0x0] =	vst.idx.add.f32.msk $0xff, v63  }
0xa7: {  	[tilespmem:v5+s24+$0x0] =	vst.idx.add.f32.msk $0xff, v3  }
0xa8: {  	[hbm4b:s17+s26] =	stream.strided.scatter [tilespmem:s24], [sflag:$0x2], $0x2780, s28, s26, $0x38;
	[tilespmem:$0x10200] =	vst v63  }
0xa9: {  	s30 =	sadd.s32 $0x1, s30;
	_ =	swait.ge [sflag:s29], $0x2780  }
0xaa: {  	p0 =	sne.s32 s30, s19;
	[sflag:s29] =	ssyncset.done $0x0  }
.Ltmp2:
0xab: {  	[sflag:s29] =	ssyncadd.s32 $0xFFFFD880;
	(pc) =	sbr.rel @p0 .LBB2_1-.Ltmp2, $4  }
0xac: {  	[hbm4b:s18+s26] =	stream.strided.scatter [tilespmem:s23], [sflag:$0x2], $0x2780, s28, s26, $0x38;
	[tilespmem:$0x10200] =	vst v63  }
0xad: {  	_ =	swait.ge [sflag:s29], $0x2780  }
0xae: {  	[sflag:s29] =	ssyncset.done $0x0  }
0xaf: {  	[sflag:s29] =	ssyncadd.s32 $0xFFFFD880  }
0xb0: {  	_ =	sfence.sel $0x180000  }
0xb1: {  	[bflag:$0x0] =	sbarrier.arrive $0xFFFF  }
0xb2: {  	_ =	strace $0x90000047  }
0xb3: {  	s0 =	stileid.u32;
	[bflag:$0x2] =	sbarrier.arrive $0xFFFF  }
0xb4: {  	p0 =	sne.s32 s0, $0x0;
	s0 =	rddreg [dreg:$0x1]  }
0xb5: {  	s0 =	sadd.s32 @!p0 $0x100000, s0  }
0xb6: {  	[sflag:s0] =	ssyncadd.tile.s32 @!p0 $0x1;
	_ =	shalt  }
.Lfunc_end2:
_tile_overlayer_lowered:
.L_overlay_start_2:
0xb7: {  	(tag) =	ssettag $0x2  }
0xb8: {  	s0 =	rddreg [dreg:$0x0];
	s2 =	stileid.u32  }
0xb9: {  	s1 =	rddreg [dreg:$0x1];
	p0 =	sne.s32 s2, $0x0  }
0xba: {  	s3 =	rddreg [dreg:$0x2];
	[bflag:$0x3] =	sbarrier.arrive $0xFFFF;
	s2 =	simm.s32 @!p0 $0x1C02  }
0xbb: {  	[timem:s3], [sflag:s2] =	dma.local @!p0 [hbm:s0], s1  }
0xbc: {  	s0 =	simm.s32 @!p0 $0x2  }
0xbd: {  	_ =	swait.ge @!p0 [sflag:s0], s1  }
0xbe: {  	s1 =	ssub.s32 @!p0 $0x0, s1;
	[sflag:s0] =	ssyncset.done @!p0 $0x0  }
0xbf: {  	[sflag:s0] =	ssyncadd.s32 @!p0 s1  }
0xc0: {  	[bflag:$0x3] =	sbarrier.arrive $0xFFFF  }
0xc1: {  	_ =	shalt  }

</sc_bundles>
